<compile_context>
chip_gen: v7x
topology: tpu7x:2x2x1
jax: 0.10.2.dev20260603
libtpu: 0.0.44.dev20260713+nightly
codegen_flags: <defaults>
</compile_context>

<pallas_src>
import functools

import jax
import jax.numpy as jnp
from jax import lax
from jax.experimental import pallas as pl
from jax.experimental.pallas import tpu as pltpu
from jax.experimental.pallas import tpu_sc as plsc

B = 16384
D = 32
CARD = 1000000


def _make_gather(n_cores: int, n_subcores: int):
    bps = B // n_subcores
    cpc = D // n_cores
    mesh = plsc.VectorSubcoreMesh(core_axis_name="c", subcore_axis_name="s")

    @functools.partial(
        pl.kernel,
        mesh=mesh,
        out_type=jax.ShapeDtypeStruct((D, B), jnp.float32),
        scratch_types=[
            pltpu.VMEM((bps,), jnp.int32),
            pltpu.VMEM((bps,), jnp.float32),
            pltpu.VMEM((bps,), jnp.float32),
            pltpu.VMEM_SHARED((CARD,), jnp.float32),
            pltpu.VMEM_SHARED((CARD,), jnp.float32),
            pltpu.SemaphoreType.DMA,
            pltpu.SemaphoreType.DMA,
            pltpu.SemaphoreType.DMA,
            pltpu.SemaphoreType.DMA,
        ],
    )
    def gather(
        tableT_hbm,
        idx_hbm,
        out_hbm,
        idx_v,
        g0,
        g1,
        slab0,
        slab1,
        sem_s0,
        sem_s1,
        sem_w0,
        sem_w1,
    ):
        core = lax.axis_index("c")
        sid = lax.axis_index("s")
        pltpu.sync_copy(idx_hbm.at[pl.ds(sid * bps, bps)], idx_v)
        slabs = (slab0, slab1)
        sems = (sem_s0, sem_s1)
        gbufs = (g0, g1)
        wsems = (sem_w0, sem_w1)
        order = [(c % 2) * (cpc // 2) + (c // 2) for c in range(cpc)]

        def stream(c_local, slab, sem):
            pltpu.async_copy(tableT_hbm.at[core * cpc + c_local], slab, sem)

        for p in range(2):

            @pl.when(sid == p)
            def _():
                stream(order[p], slabs[p], sems[p])

        for step in range(cpc):
            p = step % 2
            c_local = order[step]
            c_abs = core * cpc + c_local

            @pl.when(sid == p)
            def _():
                pltpu.make_async_copy(
                    tableT_hbm.at[c_abs], slabs[p], sems[p]
                ).wait()

            plsc.subcore_barrier()
            if step >= 2:
                pltpu.make_async_copy(
                    gbufs[p], out_hbm.at[c_abs, pl.ds(sid * bps, bps)], wsems[p]
                ).wait()
            pltpu.async_copy(slabs[p].at[idx_v], gbufs[p], sems[p]).wait()
            pltpu.async_copy(
                gbufs[p], out_hbm.at[c_abs, pl.ds(sid * bps, bps)], wsems[p]
            )
            plsc.subcore_barrier()
            if step + 2 < cpc:

                @pl.when(sid == p)
                def _():
                    stream(order[step + 2], slabs[p], sems[p])

        for step in (cpc - 2, cpc - 1):
            p = step % 2
            c_abs = core * cpc + order[step]
            pltpu.make_async_copy(
                gbufs[p], out_hbm.at[c_abs, pl.ds(sid * bps, bps)], wsems[p]
            ).wait()

    return gather


def kernel(data, col_num, emb_table):
    idx = lax.dynamic_index_in_dim(data, col_num, axis=1, keepdims=False)
    info = plsc.get_sparse_core_info()
    gather = _make_gather(info.num_cores, info.num_subcores)
    out = gather(emb_table.T, idx.astype(jnp.int32))
    return out.T

# --- scband reference (transcript-rebuilt; emitter-appended) ---
"""Pipeline reference for scband-categorical-embeds-5987184410779 (READ-ONLY COPY).

The authoritative reference and input builder live on the scoring server;
editing this copy changes nothing except your own understanding.
"""

import jax, jax.numpy as jnp
import numpy as np

CARDINALITY = 1000000
EMB_SZ = 32

def setup_inputs(seed: int = 0) -> dict:
    key = jax.random.key(seed)
    k1, k2 = jax.random.split(key)
    data = jax.random.randint(k1, (16384, 26), 0, CARDINALITY, dtype=jnp.int64 if jax.config.jax_enable_x64 else jnp.int32).astype(jnp.int32)
    emb_table = jax.random.normal(k2, (CARDINALITY, EMB_SZ), dtype=jnp.float32)
    col_num = 5
    return {"data": data, "col_num": col_num, "emb_table": emb_table}

def reference(data, col_num, emb_table):
    # x = emb_layer(data[:, col_num]); dropout(p=0.0) is identity in eval/deterministic mode
    idx = data[:, col_num]
    x = jnp.take(emb_table, idx, axis=0)
    return x

if __name__ == "__main__":
    import jax
    _d = setup_inputs()
    print(jax.jit(kernel)(*tuple(_d.values())))

</pallas_src>

<mosaic_0001>
#map = affine_map<(d0, d1) -> (0, 0)>
#map1 = affine_map<(d0, d1) -> (0)>
module attributes {stable_mosaic.version = 14 : i64} {
  func.func @gather(%arg0: i32, %arg1: i32, %arg2: memref<32x1000000xf32, #tpu.memory_space<hbm>>, %arg3: memref<16384xi32, #tpu.memory_space<hbm>>, %arg4: memref<32x16384xf32, #tpu.memory_space<hbm>>, %arg5: memref<1024xi32, #tpu.memory_space<vmem>>, %arg6: memref<1024xf32, #tpu.memory_space<vmem>>, %arg7: memref<1024xf32, #tpu.memory_space<vmem>>, %arg8: memref<1000000xf32, #tpu.memory_space<vmem_shared>>, %arg9: memref<1000000xf32, #tpu.memory_space<vmem_shared>>, %arg10: memref<!tpu.dma_semaphore, #tpu.memory_space<semaphore_mem>>, %arg11: memref<!tpu.dma_semaphore, #tpu.memory_space<semaphore_mem>>, %arg12: memref<!tpu.dma_semaphore, #tpu.memory_space<semaphore_mem>>, %arg13: memref<!tpu.dma_semaphore, #tpu.memory_space<semaphore_mem>>) attributes {dimension_semantics = [#tpu.dimension_semantics<core_parallel>, #tpu.dimension_semantics<subcore_parallel>], iteration_bounds = array<i64: 2, 16>, scalar_prefetch = 0 : i64, scratch_operands = 9 : i64, tpu.core_type = #tpu.core_type<sc_vector_subcore>, window_params = [{transform_indices = #map}, {transform_indices = #map1}, {transform_indices = #map}]} {
    %mul3A = arith.constant 1024 : i32
    %mul3A_0 = arith.muli %arg1, %mul3A : i32
    "tpu.region"() ({
      %run_scoped3A = tpu.sem_alloc : memref<!tpu.dma_semaphore, #tpu.memory_space<semaphore_mem>>
      %dma_start3A_514 = tpu.memref_slice %arg3[%mul3A_0] : memref<16384xi32, #tpu.memory_space<hbm>> -> memref<1024xi32, #tpu.memory_space<hbm>>
      %dma_start3A_515 = tpu.memref_slice %arg3[%mul3A_0] : memref<16384xi32, #tpu.memory_space<hbm>> -> memref<1024xi32, #tpu.memory_space<hbm>>
      tpu.enqueue_dma source(%dma_start3A_515 : memref<1024xi32, #tpu.memory_space<hbm>>) target(%arg5 : memref<1024xi32, #tpu.memory_space<vmem>>) target_semaphore(%run_scoped3A : memref<!tpu.dma_semaphore, #tpu.memory_space<semaphore_mem>>)
      %dma_wait3A_516 = tpu.memref_slice %arg3[%mul3A_0] : memref<16384xi32, #tpu.memory_space<hbm>> -> memref<1024xi32, #tpu.memory_space<hbm>>
      %dma_wait3A_517 = tpu.memref_slice %arg3[%mul3A_0] : memref<16384xi32, #tpu.memory_space<hbm>> -> memref<1024xi32, #tpu.memory_space<hbm>>
      tpu.wait_dma2 semaphore(%run_scoped3A : memref<!tpu.dma_semaphore, #tpu.memory_space<semaphore_mem>>) src(%dma_wait3A_517 : memref<1024xi32, #tpu.memory_space<hbm>>) dst(%arg5 : memref<1024xi32, #tpu.memory_space<vmem>>)
      tpu.yield
    }) : () -> ()
    %eq3A = arith.constant 0 : i32
    %eq3A_1 = arith.cmpi eq, %arg1, %eq3A : i32
    %convert_element_type3A = arith.extui %eq3A_1 : i1 to i32
    %cond3A = arith.constant 0 : i32
    %cond3A_2 = arith.cmpi ne, %convert_element_type3A, %cond3A : i32
    scf.if %cond3A_2 {
      %mul3A_514 = arith.constant 16 : i32
      %mul3A_515 = arith.muli %arg0, %mul3A_514 : i32
      %add3A_516 = arith.constant 0 : i32
      %add3A_517 = arith.addi %mul3A_515, %add3A_516 : i32
      %dma_start3A_518 = arith.constant 0 : i32
      %dma_start3A_519 = tpu.memref_slice %arg2[%add3A_517, %dma_start3A_518] : memref<32x1000000xf32, #tpu.memory_space<hbm>> -> memref<1x1000000xf32, #tpu.memory_space<hbm>>
      %dma_start3A_520 = tpu.memref_squeeze %dma_start3A_519 : memref<1x1000000xf32, #tpu.memory_space<hbm>> -> memref<1000000xf32, #tpu.memory_space<hbm>>
      tpu.enqueue_dma source(%dma_start3A_520 : memref<1000000xf32, #tpu.memory_space<hbm>>) target(%arg8 : memref<1000000xf32, #tpu.memory_space<vmem_shared>>) target_semaphore(%arg10 : memref<!tpu.dma_semaphore, #tpu.memory_space<semaphore_mem>>)
    } else {
    }
    %eq3A_3 = arith.constant 1 : i32
    %eq3A_4 = arith.cmpi eq, %arg1, %eq3A_3 : i32
    %convert_element_type3A_5 = arith.extui %eq3A_4 : i1 to i32
    %cond3A_6 = arith.constant 0 : i32
    %cond3A_7 = arith.cmpi ne, %convert_element_type3A_5, %cond3A_6 : i32
    scf.if %cond3A_7 {
      %mul3A_514 = arith.constant 16 : i32
      %mul3A_515 = arith.muli %arg0, %mul3A_514 : i32
      %add3A_516 = arith.constant 8 : i32
      %add3A_517 = arith.addi %mul3A_515, %add3A_516 : i32
      %dma_start3A_518 = arith.constant 0 : i32
      %dma_start3A_519 = tpu.memref_slice %arg2[%add3A_517, %dma_start3A_518] : memref<32x1000000xf32, #tpu.memory_space<hbm>> -> memref<1x1000000xf32, #tpu.memory_space<hbm>>
      %dma_start3A_520 = tpu.memref_squeeze %dma_start3A_519 : memref<1x1000000xf32, #tpu.memory_space<hbm>> -> memref<1000000xf32, #tpu.memory_space<hbm>>
      tpu.enqueue_dma source(%dma_start3A_520 : memref<1000000xf32, #tpu.memory_space<hbm>>) target(%arg9 : memref<1000000xf32, #tpu.memory_space<vmem_shared>>) target_semaphore(%arg11 : memref<!tpu.dma_semaphore, #tpu.memory_space<semaphore_mem>>)
    } else {
    }
    %mul3A_8 = arith.constant 16 : i32
    %mul3A_9 = arith.muli %arg0, %mul3A_8 : i32
    %add3A = arith.constant 0 : i32
    %add3A_10 = arith.addi %mul3A_9, %add3A : i32
    %eq3A_11 = arith.constant 0 : i32
    %eq3A_12 = arith.cmpi eq, %arg1, %eq3A_11 : i32
    %convert_element_type3A_13 = arith.extui %eq3A_12 : i1 to i32
    %cond3A_14 = arith.constant 0 : i32
    %cond3A_15 = arith.cmpi ne, %convert_element_type3A_13, %cond3A_14 : i32
    scf.if %cond3A_15 {
      %dma_wait3A_514 = arith.constant 0 : i32
      %dma_wait3A_515 = tpu.memref_slice %arg2[%add3A_10, %dma_wait3A_514] : memref<32x1000000xf32, #tpu.memory_space<hbm>> -> memref<1x1000000xf32, #tpu.memory_space<hbm>>
      %dma_wait3A_516 = tpu.memref_squeeze %dma_wait3A_515 : memref<1x1000000xf32, #tpu.memory_space<hbm>> -> memref<1000000xf32, #tpu.memory_space<hbm>>
      tpu.wait_dma2 semaphore(%arg10 : memref<!tpu.dma_semaphore, #tpu.memory_space<semaphore_mem>>) src(%dma_wait3A_516 : memref<1000000xf32, #tpu.memory_space<hbm>>) dst(%arg8 : memref<1000000xf32, #tpu.memory_space<vmem_shared>>)
    } else {
    }
    %barrier3A = arith.constant 0 : index
    tpu.barrier barrier_id(%barrier3A)
    %dma_start3A = arith.constant 0 : i32
    %dma_start3A_16 = tpu.memref_slice %arg8[%dma_start3A] : memref<1000000xf32, #tpu.memory_space<vmem_shared>> -> memref<1000000xf32, #tpu.memory_space<vmem_shared>>
    tpu.enqueue_indirect_dma source(%dma_start3A_16 : memref<1000000xf32, #tpu.memory_space<vmem_shared>>) target(%arg6 : memref<1024xf32, #tpu.memory_space<vmem>>) offsets(%arg5 : memref<1024xi32, #tpu.memory_space<vmem>>) semaphore(%arg10 : memref<!tpu.dma_semaphore, #tpu.memory_space<semaphore_mem>>)
    %dma_wait3A = arith.constant 0 : i32
    %dma_wait3A_17 = tpu.memref_slice %arg8[%dma_wait3A] : memref<1000000xf32, #tpu.memory_space<vmem_shared>> -> memref<1000000xf32, #tpu.memory_space<vmem_shared>>
    tpu.wait_indirect_dma semaphore(%arg10 : memref<!tpu.dma_semaphore, #tpu.memory_space<semaphore_mem>>) src(%dma_wait3A_17 : memref<1000000xf32, #tpu.memory_space<vmem_shared>>) dst(%arg6 : memref<1024xf32, #tpu.memory_space<vmem>>)
    %mul3A_18 = arith.constant 1024 : i32
    %mul3A_19 = arith.muli %arg1, %mul3A_18 : i32
    %dma_start3A_20 = tpu.memref_slice %arg4[%add3A_10, %mul3A_19] : memref<32x16384xf32, #tpu.memory_space<hbm>> -> memref<1x1024xf32, #tpu.memory_space<hbm>>
    %dma_start3A_21 = tpu.memref_squeeze %dma_start3A_20 : memref<1x1024xf32, #tpu.memory_space<hbm>> -> memref<1024xf32, #tpu.memory_space<hbm>>
    %dma_start3A_22 = tpu.memref_slice %arg4[%add3A_10, %mul3A_19] : memref<32x16384xf32, #tpu.memory_space<hbm>> -> memref<1x1024xf32, #tpu.memory_space<hbm>>
    %dma_start3A_23 = tpu.memref_squeeze %dma_start3A_22 : memref<1x1024xf32, #tpu.memory_space<hbm>> -> memref<1024xf32, #tpu.memory_space<hbm>>
    tpu.enqueue_dma source(%arg6 : memref<1024xf32, #tpu.memory_space<vmem>>) target(%dma_start3A_23 : memref<1024xf32, #tpu.memory_space<hbm>>) target_semaphore(%arg12 : memref<!tpu.dma_semaphore, #tpu.memory_space<semaphore_mem>>)
    %barrier3A_24 = arith.constant 0 : index
    tpu.barrier barrier_id(%barrier3A_24)
    %eq3A_25 = arith.constant 0 : i32
    %eq3A_26 = arith.cmpi eq, %arg1, %eq3A_25 : i32
    %convert_element_type3A_27 = arith.extui %eq3A_26 : i1 to i32
    %cond3A_28 = arith.constant 0 : i32
    %cond3A_29 = arith.cmpi ne, %convert_element_type3A_27, %cond3A_28 : i32
    scf.if %cond3A_29 {
      %mul3A_514 = arith.constant 16 : i32
      %mul3A_515 = arith.muli %arg0, %mul3A_514 : i32
      %add3A_516 = arith.constant 1 : i32
      %add3A_517 = arith.addi %mul3A_515, %add3A_516 : i32
      %dma_start3A_518 = arith.constant 0 : i32
      %dma_start3A_519 = tpu.memref_slice %arg2[%add3A_517, %dma_start3A_518] : memref<32x1000000xf32, #tpu.memory_space<hbm>> -> memref<1x1000000xf32, #tpu.memory_space<hbm>>
      %dma_start3A_520 = tpu.memref_squeeze %dma_start3A_519 : memref<1x1000000xf32, #tpu.memory_space<hbm>> -> memref<1000000xf32, #tpu.memory_space<hbm>>
      tpu.enqueue_dma source(%dma_start3A_520 : memref<1000000xf32, #tpu.memory_space<hbm>>) target(%arg8 : memref<1000000xf32, #tpu.memory_space<vmem_shared>>) target_semaphore(%arg10 : memref<!tpu.dma_semaphore, #tpu.memory_space<semaphore_mem>>)
    } else {
    }
    %mul3A_30 = arith.constant 16 : i32
    %mul3A_31 = arith.muli %arg0, %mul3A_30 : i32
    %add3A_32 = arith.constant 8 : i32
    %add3A_33 = arith.addi %mul3A_31, %add3A_32 : i32
    %eq3A_34 = arith.constant 1 : i32
    %eq3A_35 = arith.cmpi eq, %arg1, %eq3A_34 : i32
    %convert_element_type3A_36 = arith.extui %eq3A_35 : i1 to i32
    %cond3A_37 = arith.constant 0 : i32
    %cond3A_38 = arith.cmpi ne, %convert_element_type3A_36, %cond3A_37 : i32
    scf.if %cond3A_38 {
      %dma_wait3A_514 = arith.constant 0 : i32
      %dma_wait3A_515 = tpu.memref_slice %arg2[%add3A_33, %dma_wait3A_514] : memref<32x1000000xf32, #tpu.memory_space<hbm>> -> memref<1x1000000xf32, #tpu.memory_space<hbm>>
      %dma_wait3A_516 = tpu.memref_squeeze %dma_wait3A_515 : memref<1x1000000xf32, #tpu.memory_space<hbm>> -> memref<1000000xf32, #tpu.memory_space<hbm>>
      tpu.wait_dma2 semaphore(%arg11 : memref<!tpu.dma_semaphore, #tpu.memory_space<semaphore_mem>>) src(%dma_wait3A_516 : memref<1000000xf32, #tpu.memory_space<hbm>>) dst(%arg9 : memref<1000000xf32, #tpu.memory_space<vmem_shared>>)
    } else {
    }
    %barrier3A_39 = arith.constant 0 : index
    tpu.barrier barrier_id(%barrier3A_39)
    %dma_start3A_40 = arith.constant 0 : i32
    %dma_start3A_41 = tpu.memref_slice %arg9[%dma_start3A_40] : memref<1000000xf32, #tpu.memory_space<vmem_shared>> -> memref<1000000xf32, #tpu.memory_space<vmem_shared>>
    tpu.enqueue_indirect_dma source(%dma_start3A_41 : memref<1000000xf32, #tpu.memory_space<vmem_shared>>) target(%arg7 : memref<1024xf32, #tpu.memory_space<vmem>>) offsets(%arg5 : memref<1024xi32, #tpu.memory_space<vmem>>) semaphore(%arg11 : memref<!tpu.dma_semaphore, #tpu.memory_space<semaphore_mem>>)
    %dma_wait3A_42 = arith.constant 0 : i32
    %dma_wait3A_43 = tpu.memref_slice %arg9[%dma_wait3A_42] : memref<1000000xf32, #tpu.memory_space<vmem_shared>> -> memref<1000000xf32, #tpu.memory_space<vmem_shared>>
    tpu.wait_indirect_dma semaphore(%arg11 : memref<!tpu.dma_semaphore, #tpu.memory_space<semaphore_mem>>) src(%dma_wait3A_43 : memref<1000000xf32, #tpu.memory_space<vmem_shared>>) dst(%arg7 : memref<1024xf32, #tpu.memory_space<vmem>>)
    %mul3A_44 = arith.constant 1024 : i32
    %mul3A_45 = arith.muli %arg1, %mul3A_44 : i32
    %dma_start3A_46 = tpu.memref_slice %arg4[%add3A_33, %mul3A_45] : memref<32x16384xf32, #tpu.memory_space<hbm>> -> memref<1x1024xf32, #tpu.memory_space<hbm>>
    %dma_start3A_47 = tpu.memref_squeeze %dma_start3A_46 : memref<1x1024xf32, #tpu.memory_space<hbm>> -> memref<1024xf32, #tpu.memory_space<hbm>>
    %dma_start3A_48 = tpu.memref_slice %arg4[%add3A_33, %mul3A_45] : memref<32x16384xf32, #tpu.memory_space<hbm>> -> memref<1x1024xf32, #tpu.memory_space<hbm>>
    %dma_start3A_49 = tpu.memref_squeeze %dma_start3A_48 : memref<1x1024xf32, #tpu.memory_space<hbm>> -> memref<1024xf32, #tpu.memory_space<hbm>>
    tpu.enqueue_dma source(%arg7 : memref<1024xf32, #tpu.memory_space<vmem>>) target(%dma_start3A_49 : memref<1024xf32, #tpu.memory_space<hbm>>) target_semaphore(%arg13 : memref<!tpu.dma_semaphore, #tpu.memory_space<semaphore_mem>>)
    %barrier3A_50 = arith.constant 0 : index
    tpu.barrier barrier_id(%barrier3A_50)
    %eq3A_51 = arith.constant 1 : i32
    %eq3A_52 = arith.cmpi eq, %arg1, %eq3A_51 : i32
    %convert_element_type3A_53 = arith.extui %eq3A_52 : i1 to i32
    %cond3A_54 = arith.constant 0 : i32
    %cond3A_55 = arith.cmpi ne, %convert_element_type3A_53, %cond3A_54 : i32
    scf.if %cond3A_55 {
      %mul3A_514 = arith.constant 16 : i32
      %mul3A_515 = arith.muli %arg0, %mul3A_514 : i32
      %add3A_516 = arith.constant 9 : i32
      %add3A_517 = arith.addi %mul3A_515, %add3A_516 : i32
      %dma_start3A_518 = arith.constant 0 : i32
      %dma_start3A_519 = tpu.memref_slice %arg2[%add3A_517, %dma_start3A_518] : memref<32x1000000xf32, #tpu.memory_space<hbm>> -> memref<1x1000000xf32, #tpu.memory_space<hbm>>
      %dma_start3A_520 = tpu.memref_squeeze %dma_start3A_519 : memref<1x1000000xf32, #tpu.memory_space<hbm>> -> memref<1000000xf32, #tpu.memory_space<hbm>>
      tpu.enqueue_dma source(%dma_start3A_520 : memref<1000000xf32, #tpu.memory_space<hbm>>) target(%arg9 : memref<1000000xf32, #tpu.memory_space<vmem_shared>>) target_semaphore(%arg11 : memref<!tpu.dma_semaphore, #tpu.memory_space<semaphore_mem>>)
    } else {
    }
    %mul3A_56 = arith.constant 16 : i32
    %mul3A_57 = arith.muli %arg0, %mul3A_56 : i32
    %add3A_58 = arith.constant 1 : i32
    %add3A_59 = arith.addi %mul3A_57, %add3A_58 : i32
    %eq3A_60 = arith.constant 0 : i32
    %eq3A_61 = arith.cmpi eq, %arg1, %eq3A_60 : i32
    %convert_element_type3A_62 = arith.extui %eq3A_61 : i1 to i32
    %cond3A_63 = arith.constant 0 : i32
    %cond3A_64 = arith.cmpi ne, %convert_element_type3A_62, %cond3A_63 : i32
    scf.if %cond3A_64 {
      %dma_wait3A_514 = arith.constant 0 : i32
      %dma_wait3A_515 = tpu.memref_slice %arg2[%add3A_59, %dma_wait3A_514] : memref<32x1000000xf32, #tpu.memory_space<hbm>> -> memref<1x1000000xf32, #tpu.memory_space<hbm>>
      %dma_wait3A_516 = tpu.memref_squeeze %dma_wait3A_515 : memref<1x1000000xf32, #tpu.memory_space<hbm>> -> memref<1000000xf32, #tpu.memory_space<hbm>>
      tpu.wait_dma2 semaphore(%arg10 : memref<!tpu.dma_semaphore, #tpu.memory_space<semaphore_mem>>) src(%dma_wait3A_516 : memref<1000000xf32, #tpu.memory_space<hbm>>) dst(%arg8 : memref<1000000xf32, #tpu.memory_space<vmem_shared>>)
    } else {
    }
    %barrier3A_65 = arith.constant 0 : index
    tpu.barrier barrier_id(%barrier3A_65)
    %mul3A_66 = arith.constant 1024 : i32
    %mul3A_67 = arith.muli %arg1, %mul3A_66 : i32
    %dma_wait3A_68 = tpu.memref_slice %arg4[%add3A_59, %mul3A_67] : memref<32x16384xf32, #tpu.memory_space<hbm>> -> memref<1x1024xf32, #tpu.memory_space<hbm>>
    %dma_wait3A_69 = tpu.memref_squeeze %dma_wait3A_68 : memref<1x1024xf32, #tpu.memory_space<hbm>> -> memref<1024xf32, #tpu.memory_space<hbm>>
    %dma_wait3A_70 = tpu.memref_slice %arg4[%add3A_59, %mul3A_67] : memref<32x16384xf32, #tpu.memory_space<hbm>> -> memref<1x1024xf32, #tpu.memory_space<hbm>>
    %dma_wait3A_71 = tpu.memref_squeeze %dma_wait3A_70 : memref<1x1024xf32, #tpu.memory_space<hbm>> -> memref<1024xf32, #tpu.memory_space<hbm>>
    tpu.wait_dma2 semaphore(%arg12 : memref<!tpu.dma_semaphore, #tpu.memory_space<semaphore_mem>>) src(%arg6 : memref<1024xf32, #tpu.memory_space<vmem>>) dst(%dma_wait3A_71 : memref<1024xf32, #tpu.memory_space<hbm>>)
    %dma_start3A_72 = arith.constant 0 : i32
    %dma_start3A_73 = tpu.memref_slice %arg8[%dma_start3A_72] : memref<1000000xf32, #tpu.memory_space<vmem_shared>> -> memref<1000000xf32, #tpu.memory_space<vmem_shared>>
    tpu.enqueue_indirect_dma source(%dma_start3A_73 : memref<1000000xf32, #tpu.memory_space<vmem_shared>>) target(%arg6 : memref<1024xf32, #tpu.memory_space<vmem>>) offsets(%arg5 : memref<1024xi32, #tpu.memory_space<vmem>>) semaphore(%arg10 : memref<!tpu.dma_semaphore, #tpu.memory_space<semaphore_mem>>)
    %dma_wait3A_74 = arith.constant 0 : i32
    %dma_wait3A_75 = tpu.memref_slice %arg8[%dma_wait3A_74] : memref<1000000xf32, #tpu.memory_space<vmem_shared>> -> memref<1000000xf32, #tpu.memory_space<vmem_shared>>
    tpu.wait_indirect_dma semaphore(%arg10 : memref<!tpu.dma_semaphore, #tpu.memory_space<semaphore_mem>>) src(%dma_wait3A_75 : memref<1000000xf32, #tpu.memory_space<vmem_shared>>) dst(%arg6 : memref<1024xf32, #tpu.memory_space<vmem>>)
    %mul3A_76 = arith.constant 1024 : i32
    %mul3A_77 = arith.muli %arg1, %mul3A_76 : i32
    %dma_start3A_78 = tpu.memref_slice %arg4[%add3A_59, %mul3A_77] : memref<32x16384xf32, #tpu.memory_space<hbm>> -> memref<1x1024xf32, #tpu.memory_space<hbm>>
    %dma_start3A_79 = tpu.memref_squeeze %dma_start3A_78 : memref<1x1024xf32, #tpu.memory_space<hbm>> -> memref<1024xf32, #tpu.memory_space<hbm>>
    %dma_start3A_80 = tpu.memref_slice %arg4[%add3A_59, %mul3A_77] : memref<32x16384xf32, #tpu.memory_space<hbm>> -> memref<1x1024xf32, #tpu.memory_space<hbm>>
    %dma_start3A_81 = tpu.memref_squeeze %dma_start3A_80 : memref<1x1024xf32, #tpu.memory_space<hbm>> -> memref<1024xf32, #tpu.memory_space<hbm>>
    tpu.enqueue_dma source(%arg6 : memref<1024xf32, #tpu.memory_space<vmem>>) target(%dma_start3A_81 : memref<1024xf32, #tpu.memory_space<hbm>>) target_semaphore(%arg12 : memref<!tpu.dma_semaphore, #tpu.memory_space<semaphore_mem>>)
    %barrier3A_82 = arith.constant 0 : index
    tpu.barrier barrier_id(%barrier3A_82)
    %eq3A_83 = arith.constant 0 : i32
    %eq3A_84 = arith.cmpi eq, %arg1, %eq3A_83 : i32
    %convert_element_type3A_85 = arith.extui %eq3A_84 : i1 to i32
    %cond3A_86 = arith.constant 0 : i32
    %cond3A_87 = arith.cmpi ne, %convert_element_type3A_85, %cond3A_86 : i32
    scf.if %cond3A_87 {
      %mul3A_514 = arith.constant 16 : i32
      %mul3A_515 = arith.muli %arg0, %mul3A_514 : i32
      %add3A_516 = arith.constant 2 : i32
      %add3A_517 = arith.addi %mul3A_515, %add3A_516 : i32
      %dma_start3A_518 = arith.constant 0 : i32
      %dma_start3A_519 = tpu.memref_slice %arg2[%add3A_517, %dma_start3A_518] : memref<32x1000000xf32, #tpu.memory_space<hbm>> -> memref<1x1000000xf32, #tpu.memory_space<hbm>>
      %dma_start3A_520 = tpu.memref_squeeze %dma_start3A_519 : memref<1x1000000xf32, #tpu.memory_space<hbm>> -> memref<1000000xf32, #tpu.memory_space<hbm>>
      tpu.enqueue_dma source(%dma_start3A_520 : memref<1000000xf32, #tpu.memory_space<hbm>>) target(%arg8 : memref<1000000xf32, #tpu.memory_space<vmem_shared>>) target_semaphore(%arg10 : memref<!tpu.dma_semaphore, #tpu.memory_space<semaphore_mem>>)
    } else {
    }
    %mul3A_88 = arith.constant 16 : i32
    %mul3A_89 = arith.muli %arg0, %mul3A_88 : i32
    %add3A_90 = arith.constant 9 : i32
    %add3A_91 = arith.addi %mul3A_89, %add3A_90 : i32
    %eq3A_92 = arith.constant 1 : i32
    %eq3A_93 = arith.cmpi eq, %arg1, %eq3A_92 : i32
    %convert_element_type3A_94 = arith.extui %eq3A_93 : i1 to i32
    %cond3A_95 = arith.constant 0 : i32
    %cond3A_96 = arith.cmpi ne, %convert_element_type3A_94, %cond3A_95 : i32
    scf.if %cond3A_96 {
      %dma_wait3A_514 = arith.constant 0 : i32
      %dma_wait3A_515 = tpu.memref_slice %arg2[%add3A_91, %dma_wait3A_514] : memref<32x1000000xf32, #tpu.memory_space<hbm>> -> memref<1x1000000xf32, #tpu.memory_space<hbm>>
      %dma_wait3A_516 = tpu.memref_squeeze %dma_wait3A_515 : memref<1x1000000xf32, #tpu.memory_space<hbm>> -> memref<1000000xf32, #tpu.memory_space<hbm>>
      tpu.wait_dma2 semaphore(%arg11 : memref<!tpu.dma_semaphore, #tpu.memory_space<semaphore_mem>>) src(%dma_wait3A_516 : memref<1000000xf32, #tpu.memory_space<hbm>>) dst(%arg9 : memref<1000000xf32, #tpu.memory_space<vmem_shared>>)
    } else {
    }
    %barrier3A_97 = arith.constant 0 : index
    tpu.barrier barrier_id(%barrier3A_97)
    %mul3A_98 = arith.constant 1024 : i32
    %mul3A_99 = arith.muli %arg1, %mul3A_98 : i32
    %dma_wait3A_100 = tpu.memref_slice %arg4[%add3A_91, %mul3A_99] : memref<32x16384xf32, #tpu.memory_space<hbm>> -> memref<1x1024xf32, #tpu.memory_space<hbm>>
    %dma_wait3A_101 = tpu.memref_squeeze %dma_wait3A_100 : memref<1x1024xf32, #tpu.memory_space<hbm>> -> memref<1024xf32, #tpu.memory_space<hbm>>
    %dma_wait3A_102 = tpu.memref_slice %arg4[%add3A_91, %mul3A_99] : memref<32x16384xf32, #tpu.memory_space<hbm>> -> memref<1x1024xf32, #tpu.memory_space<hbm>>
    %dma_wait3A_103 = tpu.memref_squeeze %dma_wait3A_102 : memref<1x1024xf32, #tpu.memory_space<hbm>> -> memref<1024xf32, #tpu.memory_space<hbm>>
    tpu.wait_dma2 semaphore(%arg13 : memref<!tpu.dma_semaphore, #tpu.memory_space<semaphore_mem>>) src(%arg7 : memref<1024xf32, #tpu.memory_space<vmem>>) dst(%dma_wait3A_103 : memref<1024xf32, #tpu.memory_space<hbm>>)
    %dma_start3A_104 = arith.constant 0 : i32
    %dma_start3A_105 = tpu.memref_slice %arg9[%dma_start3A_104] : memref<1000000xf32, #tpu.memory_space<vmem_shared>> -> memref<1000000xf32, #tpu.memory_space<vmem_shared>>
    tpu.enqueue_indirect_dma source(%dma_start3A_105 : memref<1000000xf32, #tpu.memory_space<vmem_shared>>) target(%arg7 : memref<1024xf32, #tpu.memory_space<vmem>>) offsets(%arg5 : memref<1024xi32, #tpu.memory_space<vmem>>) semaphore(%arg11 : memref<!tpu.dma_semaphore, #tpu.memory_space<semaphore_mem>>)
    %dma_wait3A_106 = arith.constant 0 : i32
    %dma_wait3A_107 = tpu.memref_slice %arg9[%dma_wait3A_106] : memref<1000000xf32, #tpu.memory_space<vmem_shared>> -> memref<1000000xf32, #tpu.memory_space<vmem_shared>>
    tpu.wait_indirect_dma semaphore(%arg11 : memref<!tpu.dma_semaphore, #tpu.memory_space<semaphore_mem>>) src(%dma_wait3A_107 : memref<1000000xf32, #tpu.memory_space<vmem_shared>>) dst(%arg7 : memref<1024xf32, #tpu.memory_space<vmem>>)
    %mul3A_108 = arith.constant 1024 : i32
    %mul3A_109 = arith.muli %arg1, %mul3A_108 : i32
    %dma_start3A_110 = tpu.memref_slice %arg4[%add3A_91, %mul3A_109] : memref<32x16384xf32, #tpu.memory_space<hbm>> -> memref<1x1024xf32, #tpu.memory_space<hbm>>
    %dma_start3A_111 = tpu.memref_squeeze %dma_start3A_110 : memref<1x1024xf32, #tpu.memory_space<hbm>> -> memref<1024xf32, #tpu.memory_space<hbm>>
    %dma_start3A_112 = tpu.memref_slice %arg4[%add3A_91, %mul3A_109] : memref<32x16384xf32, #tpu.memory_space<hbm>> -> memref<1x1024xf32, #tpu.memory_space<hbm>>
    %dma_start3A_113 = tpu.memref_squeeze %dma_start3A_112 : memref<1x1024xf32, #tpu.memory_space<hbm>> -> memref<1024xf32, #tpu.memory_space<hbm>>
    tpu.enqueue_dma source(%arg7 : memref<1024xf32, #tpu.memory_space<vmem>>) target(%dma_start3A_113 : memref<1024xf32, #tpu.memory_space<hbm>>) target_semaphore(%arg13 : memref<!tpu.dma_semaphore, #tpu.memory_space<semaphore_mem>>)
    %barrier3A_114 = arith.constant 0 : index
    tpu.barrier barrier_id(%barrier3A_114)
    %eq3A_115 = arith.constant 1 : i32
    %eq3A_116 = arith.cmpi eq, %arg1, %eq3A_115 : i32
    %convert_element_type3A_117 = arith.extui %eq3A_116 : i1 to i32
    %cond3A_118 = arith.constant 0 : i32
    %cond3A_119 = arith.cmpi ne, %convert_element_type3A_117, %cond3A_118 : i32
    scf.if %cond3A_119 {
      %mul3A_514 = arith.constant 16 : i32
      %mul3A_515 = arith.muli %arg0, %mul3A_514 : i32
      %add3A_516 = arith.constant 10 : i32
      %add3A_517 = arith.addi %mul3A_515, %add3A_516 : i32
      %dma_start3A_518 = arith.constant 0 : i32
      %dma_start3A_519 = tpu.memref_slice %arg2[%add3A_517, %dma_start3A_518] : memref<32x1000000xf32, #tpu.memory_space<hbm>> -> memref<1x1000000xf32, #tpu.memory_space<hbm>>
      %dma_start3A_520 = tpu.memref_squeeze %dma_start3A_519 : memref<1x1000000xf32, #tpu.memory_space<hbm>> -> memref<1000000xf32, #tpu.memory_space<hbm>>
      tpu.enqueue_dma source(%dma_start3A_520 : memref<1000000xf32, #tpu.memory_space<hbm>>) target(%arg9 : memref<1000000xf32, #tpu.memory_space<vmem_shared>>) target_semaphore(%arg11 : memref<!tpu.dma_semaphore, #tpu.memory_space<semaphore_mem>>)
    } else {
    }
    %mul3A_120 = arith.constant 16 : i32
    %mul3A_121 = arith.muli %arg0, %mul3A_120 : i32
    %add3A_122 = arith.constant 2 : i32
    %add3A_123 = arith.addi %mul3A_121, %add3A_122 : i32
    %eq3A_124 = arith.constant 0 : i32
    %eq3A_125 = arith.cmpi eq, %arg1, %eq3A_124 : i32
    %convert_element_type3A_126 = arith.extui %eq3A_125 : i1 to i32
    %cond3A_127 = arith.constant 0 : i32
    %cond3A_128 = arith.cmpi ne, %convert_element_type3A_126, %cond3A_127 : i32
    scf.if %cond3A_128 {
      %dma_wait3A_514 = arith.constant 0 : i32
      %dma_wait3A_515 = tpu.memref_slice %arg2[%add3A_123, %dma_wait3A_514] : memref<32x1000000xf32, #tpu.memory_space<hbm>> -> memref<1x1000000xf32, #tpu.memory_space<hbm>>
      %dma_wait3A_516 = tpu.memref_squeeze %dma_wait3A_515 : memref<1x1000000xf32, #tpu.memory_space<hbm>> -> memref<1000000xf32, #tpu.memory_space<hbm>>
      tpu.wait_dma2 semaphore(%arg10 : memref<!tpu.dma_semaphore, #tpu.memory_space<semaphore_mem>>) src(%dma_wait3A_516 : memref<1000000xf32, #tpu.memory_space<hbm>>) dst(%arg8 : memref<1000000xf32, #tpu.memory_space<vmem_shared>>)
    } else {
    }
    %barrier3A_129 = arith.constant 0 : index
    tpu.barrier barrier_id(%barrier3A_129)
    %mul3A_130 = arith.constant 1024 : i32
    %mul3A_131 = arith.muli %arg1, %mul3A_130 : i32
    %dma_wait3A_132 = tpu.memref_slice %arg4[%add3A_123, %mul3A_131] : memref<32x16384xf32, #tpu.memory_space<hbm>> -> memref<1x1024xf32, #tpu.memory_space<hbm>>
    %dma_wait3A_133 = tpu.memref_squeeze %dma_wait3A_132 : memref<1x1024xf32, #tpu.memory_space<hbm>> -> memref<1024xf32, #tpu.memory_space<hbm>>
    %dma_wait3A_134 = tpu.memref_slice %arg4[%add3A_123, %mul3A_131] : memref<32x16384xf32, #tpu.memory_space<hbm>> -> memref<1x1024xf32, #tpu.memory_space<hbm>>
    %dma_wait3A_135 = tpu.memref_squeeze %dma_wait3A_134 : memref<1x1024xf32, #tpu.memory_space<hbm>> -> memref<1024xf32, #tpu.memory_space<hbm>>
    tpu.wait_dma2 semaphore(%arg12 : memref<!tpu.dma_semaphore, #tpu.memory_space<semaphore_mem>>) src(%arg6 : memref<1024xf32, #tpu.memory_space<vmem>>) dst(%dma_wait3A_135 : memref<1024xf32, #tpu.memory_space<hbm>>)
    %dma_start3A_136 = arith.constant 0 : i32
    %dma_start3A_137 = tpu.memref_slice %arg8[%dma_start3A_136] : memref<1000000xf32, #tpu.memory_space<vmem_shared>> -> memref<1000000xf32, #tpu.memory_space<vmem_shared>>
    tpu.enqueue_indirect_dma source(%dma_start3A_137 : memref<1000000xf32, #tpu.memory_space<vmem_shared>>) target(%arg6 : memref<1024xf32, #tpu.memory_space<vmem>>) offsets(%arg5 : memref<1024xi32, #tpu.memory_space<vmem>>) semaphore(%arg10 : memref<!tpu.dma_semaphore, #tpu.memory_space<semaphore_mem>>)
    %dma_wait3A_138 = arith.constant 0 : i32
    %dma_wait3A_139 = tpu.memref_slice %arg8[%dma_wait3A_138] : memref<1000000xf32, #tpu.memory_space<vmem_shared>> -> memref<1000000xf32, #tpu.memory_space<vmem_shared>>
    tpu.wait_indirect_dma semaphore(%arg10 : memref<!tpu.dma_semaphore, #tpu.memory_space<semaphore_mem>>) src(%dma_wait3A_139 : memref<1000000xf32, #tpu.memory_space<vmem_shared>>) dst(%arg6 : memref<1024xf32, #tpu.memory_space<vmem>>)
    %mul3A_140 = arith.constant 1024 : i32
    %mul3A_141 = arith.muli %arg1, %mul3A_140 : i32
    %dma_start3A_142 = tpu.memref_slice %arg4[%add3A_123, %mul3A_141] : memref<32x16384xf32, #tpu.memory_space<hbm>> -> memref<1x1024xf32, #tpu.memory_space<hbm>>
    %dma_start3A_143 = tpu.memref_squeeze %dma_start3A_142 : memref<1x1024xf32, #tpu.memory_space<hbm>> -> memref<1024xf32, #tpu.memory_space<hbm>>
    %dma_start3A_144 = tpu.memref_slice %arg4[%add3A_123, %mul3A_141] : memref<32x16384xf32, #tpu.memory_space<hbm>> -> memref<1x1024xf32, #tpu.memory_space<hbm>>
    %dma_start3A_145 = tpu.memref_squeeze %dma_start3A_144 : memref<1x1024xf32, #tpu.memory_space<hbm>> -> memref<1024xf32, #tpu.memory_space<hbm>>
    tpu.enqueue_dma source(%arg6 : memref<1024xf32, #tpu.memory_space<vmem>>) target(%dma_start3A_145 : memref<1024xf32, #tpu.memory_space<hbm>>) target_semaphore(%arg12 : memref<!tpu.dma_semaphore, #tpu.memory_space<semaphore_mem>>)
    %barrier3A_146 = arith.constant 0 : index
    tpu.barrier barrier_id(%barrier3A_146)
    %eq3A_147 = arith.constant 0 : i32
    %eq3A_148 = arith.cmpi eq, %arg1, %eq3A_147 : i32
    %convert_element_type3A_149 = arith.extui %eq3A_148 : i1 to i32
    %cond3A_150 = arith.constant 0 : i32
    %cond3A_151 = arith.cmpi ne, %convert_element_type3A_149, %cond3A_150 : i32
    scf.if %cond3A_151 {
      %mul3A_514 = arith.constant 16 : i32
      %mul3A_515 = arith.muli %arg0, %mul3A_514 : i32
      %add3A_516 = arith.constant 3 : i32
      %add3A_517 = arith.addi %mul3A_515, %add3A_516 : i32
      %dma_start3A_518 = arith.constant 0 : i32
      %dma_start3A_519 = tpu.memref_slice %arg2[%add3A_517, %dma_start3A_518] : memref<32x1000000xf32, #tpu.memory_space<hbm>> -> memref<1x1000000xf32, #tpu.memory_space<hbm>>
      %dma_start3A_520 = tpu.memref_squeeze %dma_start3A_519 : memref<1x1000000xf32, #tpu.memory_space<hbm>> -> memref<1000000xf32, #tpu.memory_space<hbm>>
      tpu.enqueue_dma source(%dma_start3A_520 : memref<1000000xf32, #tpu.memory_space<hbm>>) target(%arg8 : memref<1000000xf32, #tpu.memory_space<vmem_shared>>) target_semaphore(%arg10 : memref<!tpu.dma_semaphore, #tpu.memory_space<semaphore_mem>>)
    } else {
    }
    %mul3A_152 = arith.constant 16 : i32
    %mul3A_153 = arith.muli %arg0, %mul3A_152 : i32
    %add3A_154 = arith.constant 10 : i32
    %add3A_155 = arith.addi %mul3A_153, %add3A_154 : i32
    %eq3A_156 = arith.constant 1 : i32
    %eq3A_157 = arith.cmpi eq, %arg1, %eq3A_156 : i32
    %convert_element_type3A_158 = arith.extui %eq3A_157 : i1 to i32
    %cond3A_159 = arith.constant 0 : i32
    %cond3A_160 = arith.cmpi ne, %convert_element_type3A_158, %cond3A_159 : i32
    scf.if %cond3A_160 {
      %dma_wait3A_514 = arith.constant 0 : i32
      %dma_wait3A_515 = tpu.memref_slice %arg2[%add3A_155, %dma_wait3A_514] : memref<32x1000000xf32, #tpu.memory_space<hbm>> -> memref<1x1000000xf32, #tpu.memory_space<hbm>>
      %dma_wait3A_516 = tpu.memref_squeeze %dma_wait3A_515 : memref<1x1000000xf32, #tpu.memory_space<hbm>> -> memref<1000000xf32, #tpu.memory_space<hbm>>
      tpu.wait_dma2 semaphore(%arg11 : memref<!tpu.dma_semaphore, #tpu.memory_space<semaphore_mem>>) src(%dma_wait3A_516 : memref<1000000xf32, #tpu.memory_space<hbm>>) dst(%arg9 : memref<1000000xf32, #tpu.memory_space<vmem_shared>>)
    } else {
    }
    %barrier3A_161 = arith.constant 0 : index
    tpu.barrier barrier_id(%barrier3A_161)
    %mul3A_162 = arith.constant 1024 : i32
    %mul3A_163 = arith.muli %arg1, %mul3A_162 : i32
    %dma_wait3A_164 = tpu.memref_slice %arg4[%add3A_155, %mul3A_163] : memref<32x16384xf32, #tpu.memory_space<hbm>> -> memref<1x1024xf32, #tpu.memory_space<hbm>>
    %dma_wait3A_165 = tpu.memref_squeeze %dma_wait3A_164 : memref<1x1024xf32, #tpu.memory_space<hbm>> -> memref<1024xf32, #tpu.memory_space<hbm>>
    %dma_wait3A_166 = tpu.memref_slice %arg4[%add3A_155, %mul3A_163] : memref<32x16384xf32, #tpu.memory_space<hbm>> -> memref<1x1024xf32, #tpu.memory_space<hbm>>
    %dma_wait3A_167 = tpu.memref_squeeze %dma_wait3A_166 : memref<1x1024xf32, #tpu.memory_space<hbm>> -> memref<1024xf32, #tpu.memory_space<hbm>>
    tpu.wait_dma2 semaphore(%arg13 : memref<!tpu.dma_semaphore, #tpu.memory_space<semaphore_mem>>) src(%arg7 : memref<1024xf32, #tpu.memory_space<vmem>>) dst(%dma_wait3A_167 : memref<1024xf32, #tpu.memory_space<hbm>>)
    %dma_start3A_168 = arith.constant 0 : i32
    %dma_start3A_169 = tpu.memref_slice %arg9[%dma_start3A_168] : memref<1000000xf32, #tpu.memory_space<vmem_shared>> -> memref<1000000xf32, #tpu.memory_space<vmem_shared>>
    tpu.enqueue_indirect_dma source(%dma_start3A_169 : memref<1000000xf32, #tpu.memory_space<vmem_shared>>) target(%arg7 : memref<1024xf32, #tpu.memory_space<vmem>>) offsets(%arg5 : memref<1024xi32, #tpu.memory_space<vmem>>) semaphore(%arg11 : memref<!tpu.dma_semaphore, #tpu.memory_space<semaphore_mem>>)
    %dma_wait3A_170 = arith.constant 0 : i32
    %dma_wait3A_171 = tpu.memref_slice %arg9[%dma_wait3A_170] : memref<1000000xf32, #tpu.memory_space<vmem_shared>> -> memref<1000000xf32, #tpu.memory_space<vmem_shared>>
    tpu.wait_indirect_dma semaphore(%arg11 : memref<!tpu.dma_semaphore, #tpu.memory_space<semaphore_mem>>) src(%dma_wait3A_171 : memref<1000000xf32, #tpu.memory_space<vmem_shared>>) dst(%arg7 : memref<1024xf32, #tpu.memory_space<vmem>>)
    %mul3A_172 = arith.constant 1024 : i32
    %mul3A_173 = arith.muli %arg1, %mul3A_172 : i32
    %dma_start3A_174 = tpu.memref_slice %arg4[%add3A_155, %mul3A_173] : memref<32x16384xf32, #tpu.memory_space<hbm>> -> memref<1x1024xf32, #tpu.memory_space<hbm>>
    %dma_start3A_175 = tpu.memref_squeeze %dma_start3A_174 : memref<1x1024xf32, #tpu.memory_space<hbm>> -> memref<1024xf32, #tpu.memory_space<hbm>>
    %dma_start3A_176 = tpu.memref_slice %arg4[%add3A_155, %mul3A_173] : memref<32x16384xf32, #tpu.memory_space<hbm>> -> memref<1x1024xf32, #tpu.memory_space<hbm>>
    %dma_start3A_177 = tpu.memref_squeeze %dma_start3A_176 : memref<1x1024xf32, #tpu.memory_space<hbm>> -> memref<1024xf32, #tpu.memory_space<hbm>>
    tpu.enqueue_dma source(%arg7 : memref<1024xf32, #tpu.memory_space<vmem>>) target(%dma_start3A_177 : memref<1024xf32, #tpu.memory_space<hbm>>) target_semaphore(%arg13 : memref<!tpu.dma_semaphore, #tpu.memory_space<semaphore_mem>>)
    %barrier3A_178 = arith.constant 0 : index
    tpu.barrier barrier_id(%barrier3A_178)
    %eq3A_179 = arith.constant 1 : i32
    %eq3A_180 = arith.cmpi eq, %arg1, %eq3A_179 : i32
    %convert_element_type3A_181 = arith.extui %eq3A_180 : i1 to i32
    %cond3A_182 = arith.constant 0 : i32
    %cond3A_183 = arith.cmpi ne, %convert_element_type3A_181, %cond3A_182 : i32
    scf.if %cond3A_183 {
      %mul3A_514 = arith.constant 16 : i32
      %mul3A_515 = arith.muli %arg0, %mul3A_514 : i32
      %add3A_516 = arith.constant 11 : i32
      %add3A_517 = arith.addi %mul3A_515, %add3A_516 : i32
      %dma_start3A_518 = arith.constant 0 : i32
      %dma_start3A_519 = tpu.memref_slice %arg2[%add3A_517, %dma_start3A_518] : memref<32x1000000xf32, #tpu.memory_space<hbm>> -> memref<1x1000000xf32, #tpu.memory_space<hbm>>
      %dma_start3A_520 = tpu.memref_squeeze %dma_start3A_519 : memref<1x1000000xf32, #tpu.memory_space<hbm>> -> memref<1000000xf32, #tpu.memory_space<hbm>>
      tpu.enqueue_dma source(%dma_start3A_520 : memref<1000000xf32, #tpu.memory_space<hbm>>) target(%arg9 : memref<1000000xf32, #tpu.memory_space<vmem_shared>>) target_semaphore(%arg11 : memref<!tpu.dma_semaphore, #tpu.memory_space<semaphore_mem>>)
    } else {
    }
    %mul3A_184 = arith.constant 16 : i32
    %mul3A_185 = arith.muli %arg0, %mul3A_184 : i32
    %add3A_186 = arith.constant 3 : i32
    %add3A_187 = arith.addi %mul3A_185, %add3A_186 : i32
    %eq3A_188 = arith.constant 0 : i32
    %eq3A_189 = arith.cmpi eq, %arg1, %eq3A_188 : i32
    %convert_element_type3A_190 = arith.extui %eq3A_189 : i1 to i32
    %cond3A_191 = arith.constant 0 : i32
    %cond3A_192 = arith.cmpi ne, %convert_element_type3A_190, %cond3A_191 : i32
    scf.if %cond3A_192 {
      %dma_wait3A_514 = arith.constant 0 : i32
      %dma_wait3A_515 = tpu.memref_slice %arg2[%add3A_187, %dma_wait3A_514] : memref<32x1000000xf32, #tpu.memory_space<hbm>> -> memref<1x1000000xf32, #tpu.memory_space<hbm>>
      %dma_wait3A_516 = tpu.memref_squeeze %dma_wait3A_515 : memref<1x1000000xf32, #tpu.memory_space<hbm>> -> memref<1000000xf32, #tpu.memory_space<hbm>>
      tpu.wait_dma2 semaphore(%arg10 : memref<!tpu.dma_semaphore, #tpu.memory_space<semaphore_mem>>) src(%dma_wait3A_516 : memref<1000000xf32, #tpu.memory_space<hbm>>) dst(%arg8 : memref<1000000xf32, #tpu.memory_space<vmem_shared>>)
    } else {
    }
    %barrier3A_193 = arith.constant 0 : index
    tpu.barrier barrier_id(%barrier3A_193)
    %mul3A_194 = arith.constant 1024 : i32
    %mul3A_195 = arith.muli %arg1, %mul3A_194 : i32
    %dma_wait3A_196 = tpu.memref_slice %arg4[%add3A_187, %mul3A_195] : memref<32x16384xf32, #tpu.memory_space<hbm>> -> memref<1x1024xf32, #tpu.memory_space<hbm>>
    %dma_wait3A_197 = tpu.memref_squeeze %dma_wait3A_196 : memref<1x1024xf32, #tpu.memory_space<hbm>> -> memref<1024xf32, #tpu.memory_space<hbm>>
    %dma_wait3A_198 = tpu.memref_slice %arg4[%add3A_187, %mul3A_195] : memref<32x16384xf32, #tpu.memory_space<hbm>> -> memref<1x1024xf32, #tpu.memory_space<hbm>>
    %dma_wait3A_199 = tpu.memref_squeeze %dma_wait3A_198 : memref<1x1024xf32, #tpu.memory_space<hbm>> -> memref<1024xf32, #tpu.memory_space<hbm>>
    tpu.wait_dma2 semaphore(%arg12 : memref<!tpu.dma_semaphore, #tpu.memory_space<semaphore_mem>>) src(%arg6 : memref<1024xf32, #tpu.memory_space<vmem>>) dst(%dma_wait3A_199 : memref<1024xf32, #tpu.memory_space<hbm>>)
    %dma_start3A_200 = arith.constant 0 : i32
    %dma_start3A_201 = tpu.memref_slice %arg8[%dma_start3A_200] : memref<1000000xf32, #tpu.memory_space<vmem_shared>> -> memref<1000000xf32, #tpu.memory_space<vmem_shared>>
    tpu.enqueue_indirect_dma source(%dma_start3A_201 : memref<1000000xf32, #tpu.memory_space<vmem_shared>>) target(%arg6 : memref<1024xf32, #tpu.memory_space<vmem>>) offsets(%arg5 : memref<1024xi32, #tpu.memory_space<vmem>>) semaphore(%arg10 : memref<!tpu.dma_semaphore, #tpu.memory_space<semaphore_mem>>)
    %dma_wait3A_202 = arith.constant 0 : i32
    %dma_wait3A_203 = tpu.memref_slice %arg8[%dma_wait3A_202] : memref<1000000xf32, #tpu.memory_space<vmem_shared>> -> memref<1000000xf32, #tpu.memory_space<vmem_shared>>
    tpu.wait_indirect_dma semaphore(%arg10 : memref<!tpu.dma_semaphore, #tpu.memory_space<semaphore_mem>>) src(%dma_wait3A_203 : memref<1000000xf32, #tpu.memory_space<vmem_shared>>) dst(%arg6 : memref<1024xf32, #tpu.memory_space<vmem>>)
    %mul3A_204 = arith.constant 1024 : i32
    %mul3A_205 = arith.muli %arg1, %mul3A_204 : i32
    %dma_start3A_206 = tpu.memref_slice %arg4[%add3A_187, %mul3A_205] : memref<32x16384xf32, #tpu.memory_space<hbm>> -> memref<1x1024xf32, #tpu.memory_space<hbm>>
    %dma_start3A_207 = tpu.memref_squeeze %dma_start3A_206 : memref<1x1024xf32, #tpu.memory_space<hbm>> -> memref<1024xf32, #tpu.memory_space<hbm>>
    %dma_start3A_208 = tpu.memref_slice %arg4[%add3A_187, %mul3A_205] : memref<32x16384xf32, #tpu.memory_space<hbm>> -> memref<1x1024xf32, #tpu.memory_space<hbm>>
    %dma_start3A_209 = tpu.memref_squeeze %dma_start3A_208 : memref<1x1024xf32, #tpu.memory_space<hbm>> -> memref<1024xf32, #tpu.memory_space<hbm>>
    tpu.enqueue_dma source(%arg6 : memref<1024xf32, #tpu.memory_space<vmem>>) target(%dma_start3A_209 : memref<1024xf32, #tpu.memory_space<hbm>>) target_semaphore(%arg12 : memref<!tpu.dma_semaphore, #tpu.memory_space<semaphore_mem>>)
    %barrier3A_210 = arith.constant 0 : index
    tpu.barrier barrier_id(%barrier3A_210)
    %eq3A_211 = arith.constant 0 : i32
    %eq3A_212 = arith.cmpi eq, %arg1, %eq3A_211 : i32
    %convert_element_type3A_213 = arith.extui %eq3A_212 : i1 to i32
    %cond3A_214 = arith.constant 0 : i32
    %cond3A_215 = arith.cmpi ne, %convert_element_type3A_213, %cond3A_214 : i32
    scf.if %cond3A_215 {
      %mul3A_514 = arith.constant 16 : i32
      %mul3A_515 = arith.muli %arg0, %mul3A_514 : i32
      %add3A_516 = arith.constant 4 : i32
      %add3A_517 = arith.addi %mul3A_515, %add3A_516 : i32
      %dma_start3A_518 = arith.constant 0 : i32
      %dma_start3A_519 = tpu.memref_slice %arg2[%add3A_517, %dma_start3A_518] : memref<32x1000000xf32, #tpu.memory_space<hbm>> -> memref<1x1000000xf32, #tpu.memory_space<hbm>>
      %dma_start3A_520 = tpu.memref_squeeze %dma_start3A_519 : memref<1x1000000xf32, #tpu.memory_space<hbm>> -> memref<1000000xf32, #tpu.memory_space<hbm>>
      tpu.enqueue_dma source(%dma_start3A_520 : memref<1000000xf32, #tpu.memory_space<hbm>>) target(%arg8 : memref<1000000xf32, #tpu.memory_space<vmem_shared>>) target_semaphore(%arg10 : memref<!tpu.dma_semaphore, #tpu.memory_space<semaphore_mem>>)
    } else {
    }
    %mul3A_216 = arith.constant 16 : i32
    %mul3A_217 = arith.muli %arg0, %mul3A_216 : i32
    %add3A_218 = arith.constant 11 : i32
    %add3A_219 = arith.addi %mul3A_217, %add3A_218 : i32
    %eq3A_220 = arith.constant 1 : i32
    %eq3A_221 = arith.cmpi eq, %arg1, %eq3A_220 : i32
    %convert_element_type3A_222 = arith.extui %eq3A_221 : i1 to i32
    %cond3A_223 = arith.constant 0 : i32
    %cond3A_224 = arith.cmpi ne, %convert_element_type3A_222, %cond3A_223 : i32
    scf.if %cond3A_224 {
      %dma_wait3A_514 = arith.constant 0 : i32
      %dma_wait3A_515 = tpu.memref_slice %arg2[%add3A_219, %dma_wait3A_514] : memref<32x1000000xf32, #tpu.memory_space<hbm>> -> memref<1x1000000xf32, #tpu.memory_space<hbm>>
      %dma_wait3A_516 = tpu.memref_squeeze %dma_wait3A_515 : memref<1x1000000xf32, #tpu.memory_space<hbm>> -> memref<1000000xf32, #tpu.memory_space<hbm>>
      tpu.wait_dma2 semaphore(%arg11 : memref<!tpu.dma_semaphore, #tpu.memory_space<semaphore_mem>>) src(%dma_wait3A_516 : memref<1000000xf32, #tpu.memory_space<hbm>>) dst(%arg9 : memref<1000000xf32, #tpu.memory_space<vmem_shared>>)
    } else {
    }
    %barrier3A_225 = arith.constant 0 : index
    tpu.barrier barrier_id(%barrier3A_225)
    %mul3A_226 = arith.constant 1024 : i32
    %mul3A_227 = arith.muli %arg1, %mul3A_226 : i32
    %dma_wait3A_228 = tpu.memref_slice %arg4[%add3A_219, %mul3A_227] : memref<32x16384xf32, #tpu.memory_space<hbm>> -> memref<1x1024xf32, #tpu.memory_space<hbm>>
    %dma_wait3A_229 = tpu.memref_squeeze %dma_wait3A_228 : memref<1x1024xf32, #tpu.memory_space<hbm>> -> memref<1024xf32, #tpu.memory_space<hbm>>
    %dma_wait3A_230 = tpu.memref_slice %arg4[%add3A_219, %mul3A_227] : memref<32x16384xf32, #tpu.memory_space<hbm>> -> memref<1x1024xf32, #tpu.memory_space<hbm>>
    %dma_wait3A_231 = tpu.memref_squeeze %dma_wait3A_230 : memref<1x1024xf32, #tpu.memory_space<hbm>> -> memref<1024xf32, #tpu.memory_space<hbm>>
    tpu.wait_dma2 semaphore(%arg13 : memref<!tpu.dma_semaphore, #tpu.memory_space<semaphore_mem>>) src(%arg7 : memref<1024xf32, #tpu.memory_space<vmem>>) dst(%dma_wait3A_231 : memref<1024xf32, #tpu.memory_space<hbm>>)
    %dma_start3A_232 = arith.constant 0 : i32
    %dma_start3A_233 = tpu.memref_slice %arg9[%dma_start3A_232] : memref<1000000xf32, #tpu.memory_space<vmem_shared>> -> memref<1000000xf32, #tpu.memory_space<vmem_shared>>
    tpu.enqueue_indirect_dma source(%dma_start3A_233 : memref<1000000xf32, #tpu.memory_space<vmem_shared>>) target(%arg7 : memref<1024xf32, #tpu.memory_space<vmem>>) offsets(%arg5 : memref<1024xi32, #tpu.memory_space<vmem>>) semaphore(%arg11 : memref<!tpu.dma_semaphore, #tpu.memory_space<semaphore_mem>>)
    %dma_wait3A_234 = arith.constant 0 : i32
    %dma_wait3A_235 = tpu.memref_slice %arg9[%dma_wait3A_234] : memref<1000000xf32, #tpu.memory_space<vmem_shared>> -> memref<1000000xf32, #tpu.memory_space<vmem_shared>>
    tpu.wait_indirect_dma semaphore(%arg11 : memref<!tpu.dma_semaphore, #tpu.memory_space<semaphore_mem>>) src(%dma_wait3A_235 : memref<1000000xf32, #tpu.memory_space<vmem_shared>>) dst(%arg7 : memref<1024xf32, #tpu.memory_space<vmem>>)
    %mul3A_236 = arith.constant 1024 : i32
    %mul3A_237 = arith.muli %arg1, %mul3A_236 : i32
    %dma_start3A_238 = tpu.memref_slice %arg4[%add3A_219, %mul3A_237] : memref<32x16384xf32, #tpu.memory_space<hbm>> -> memref<1x1024xf32, #tpu.memory_space<hbm>>
    %dma_start3A_239 = tpu.memref_squeeze %dma_start3A_238 : memref<1x1024xf32, #tpu.memory_space<hbm>> -> memref<1024xf32, #tpu.memory_space<hbm>>
    %dma_start3A_240 = tpu.memref_slice %arg4[%add3A_219, %mul3A_237] : memref<32x16384xf32, #tpu.memory_space<hbm>> -> memref<1x1024xf32, #tpu.memory_space<hbm>>
    %dma_start3A_241 = tpu.memref_squeeze %dma_start3A_240 : memref<1x1024xf32, #tpu.memory_space<hbm>> -> memref<1024xf32, #tpu.memory_space<hbm>>
    tpu.enqueue_dma source(%arg7 : memref<1024xf32, #tpu.memory_space<vmem>>) target(%dma_start3A_241 : memref<1024xf32, #tpu.memory_space<hbm>>) target_semaphore(%arg13 : memref<!tpu.dma_semaphore, #tpu.memory_space<semaphore_mem>>)
    %barrier3A_242 = arith.constant 0 : index
    tpu.barrier barrier_id(%barrier3A_242)
    %eq3A_243 = arith.constant 1 : i32
    %eq3A_244 = arith.cmpi eq, %arg1, %eq3A_243 : i32
    %convert_element_type3A_245 = arith.extui %eq3A_244 : i1 to i32
    %cond3A_246 = arith.constant 0 : i32
    %cond3A_247 = arith.cmpi ne, %convert_element_type3A_245, %cond3A_246 : i32
    scf.if %cond3A_247 {
      %mul3A_514 = arith.constant 16 : i32
      %mul3A_515 = arith.muli %arg0, %mul3A_514 : i32
      %add3A_516 = arith.constant 12 : i32
      %add3A_517 = arith.addi %mul3A_515, %add3A_516 : i32
      %dma_start3A_518 = arith.constant 0 : i32
      %dma_start3A_519 = tpu.memref_slice %arg2[%add3A_517, %dma_start3A_518] : memref<32x1000000xf32, #tpu.memory_space<hbm>> -> memref<1x1000000xf32, #tpu.memory_space<hbm>>
      %dma_start3A_520 = tpu.memref_squeeze %dma_start3A_519 : memref<1x1000000xf32, #tpu.memory_space<hbm>> -> memref<1000000xf32, #tpu.memory_space<hbm>>
      tpu.enqueue_dma source(%dma_start3A_520 : memref<1000000xf32, #tpu.memory_space<hbm>>) target(%arg9 : memref<1000000xf32, #tpu.memory_space<vmem_shared>>) target_semaphore(%arg11 : memref<!tpu.dma_semaphore, #tpu.memory_space<semaphore_mem>>)
    } else {
    }
    %mul3A_248 = arith.constant 16 : i32
    %mul3A_249 = arith.muli %arg0, %mul3A_248 : i32
    %add3A_250 = arith.constant 4 : i32
    %add3A_251 = arith.addi %mul3A_249, %add3A_250 : i32
    %eq3A_252 = arith.constant 0 : i32
    %eq3A_253 = arith.cmpi eq, %arg1, %eq3A_252 : i32
    %convert_element_type3A_254 = arith.extui %eq3A_253 : i1 to i32
    %cond3A_255 = arith.constant 0 : i32
    %cond3A_256 = arith.cmpi ne, %convert_element_type3A_254, %cond3A_255 : i32
    scf.if %cond3A_256 {
      %dma_wait3A_514 = arith.constant 0 : i32
      %dma_wait3A_515 = tpu.memref_slice %arg2[%add3A_251, %dma_wait3A_514] : memref<32x1000000xf32, #tpu.memory_space<hbm>> -> memref<1x1000000xf32, #tpu.memory_space<hbm>>
      %dma_wait3A_516 = tpu.memref_squeeze %dma_wait3A_515 : memref<1x1000000xf32, #tpu.memory_space<hbm>> -> memref<1000000xf32, #tpu.memory_space<hbm>>
      tpu.wait_dma2 semaphore(%arg10 : memref<!tpu.dma_semaphore, #tpu.memory_space<semaphore_mem>>) src(%dma_wait3A_516 : memref<1000000xf32, #tpu.memory_space<hbm>>) dst(%arg8 : memref<1000000xf32, #tpu.memory_space<vmem_shared>>)
    } else {
    }
    %barrier3A_257 = arith.constant 0 : index
    tpu.barrier barrier_id(%barrier3A_257)
    %mul3A_258 = arith.constant 1024 : i32
    %mul3A_259 = arith.muli %arg1, %mul3A_258 : i32
    %dma_wait3A_260 = tpu.memref_slice %arg4[%add3A_251, %mul3A_259] : memref<32x16384xf32, #tpu.memory_space<hbm>> -> memref<1x1024xf32, #tpu.memory_space<hbm>>
    %dma_wait3A_261 = tpu.memref_squeeze %dma_wait3A_260 : memref<1x1024xf32, #tpu.memory_space<hbm>> -> memref<1024xf32, #tpu.memory_space<hbm>>
    %dma_wait3A_262 = tpu.memref_slice %arg4[%add3A_251, %mul3A_259] : memref<32x16384xf32, #tpu.memory_space<hbm>> -> memref<1x1024xf32, #tpu.memory_space<hbm>>
    %dma_wait3A_263 = tpu.memref_squeeze %dma_wait3A_262 : memref<1x1024xf32, #tpu.memory_space<hbm>> -> memref<1024xf32, #tpu.memory_space<hbm>>
    tpu.wait_dma2 semaphore(%arg12 : memref<!tpu.dma_semaphore, #tpu.memory_space<semaphore_mem>>) src(%arg6 : memref<1024xf32, #tpu.memory_space<vmem>>) dst(%dma_wait3A_263 : memref<1024xf32, #tpu.memory_space<hbm>>)
    %dma_start3A_264 = arith.constant 0 : i32
    %dma_start3A_265 = tpu.memref_slice %arg8[%dma_start3A_264] : memref<1000000xf32, #tpu.memory_space<vmem_shared>> -> memref<1000000xf32, #tpu.memory_space<vmem_shared>>
    tpu.enqueue_indirect_dma source(%dma_start3A_265 : memref<1000000xf32, #tpu.memory_space<vmem_shared>>) target(%arg6 : memref<1024xf32, #tpu.memory_space<vmem>>) offsets(%arg5 : memref<1024xi32, #tpu.memory_space<vmem>>) semaphore(%arg10 : memref<!tpu.dma_semaphore, #tpu.memory_space<semaphore_mem>>)
    %dma_wait3A_266 = arith.constant 0 : i32
    %dma_wait3A_267 = tpu.memref_slice %arg8[%dma_wait3A_266] : memref<1000000xf32, #tpu.memory_space<vmem_shared>> -> memref<1000000xf32, #tpu.memory_space<vmem_shared>>
    tpu.wait_indirect_dma semaphore(%arg10 : memref<!tpu.dma_semaphore, #tpu.memory_space<semaphore_mem>>) src(%dma_wait3A_267 : memref<1000000xf32, #tpu.memory_space<vmem_shared>>) dst(%arg6 : memref<1024xf32, #tpu.memory_space<vmem>>)
    %mul3A_268 = arith.constant 1024 : i32
    %mul3A_269 = arith.muli %arg1, %mul3A_268 : i32
    %dma_start3A_270 = tpu.memref_slice %arg4[%add3A_251, %mul3A_269] : memref<32x16384xf32, #tpu.memory_space<hbm>> -> memref<1x1024xf32, #tpu.memory_space<hbm>>
    %dma_start3A_271 = tpu.memref_squeeze %dma_start3A_270 : memref<1x1024xf32, #tpu.memory_space<hbm>> -> memref<1024xf32, #tpu.memory_space<hbm>>
    %dma_start3A_272 = tpu.memref_slice %arg4[%add3A_251, %mul3A_269] : memref<32x16384xf32, #tpu.memory_space<hbm>> -> memref<1x1024xf32, #tpu.memory_space<hbm>>
    %dma_start3A_273 = tpu.memref_squeeze %dma_start3A_272 : memref<1x1024xf32, #tpu.memory_space<hbm>> -> memref<1024xf32, #tpu.memory_space<hbm>>
    tpu.enqueue_dma source(%arg6 : memref<1024xf32, #tpu.memory_space<vmem>>) target(%dma_start3A_273 : memref<1024xf32, #tpu.memory_space<hbm>>) target_semaphore(%arg12 : memref<!tpu.dma_semaphore, #tpu.memory_space<semaphore_mem>>)
    %barrier3A_274 = arith.constant 0 : index
    tpu.barrier barrier_id(%barrier3A_274)
    %eq3A_275 = arith.constant 0 : i32
    %eq3A_276 = arith.cmpi eq, %arg1, %eq3A_275 : i32
    %convert_element_type3A_277 = arith.extui %eq3A_276 : i1 to i32
    %cond3A_278 = arith.constant 0 : i32
    %cond3A_279 = arith.cmpi ne, %convert_element_type3A_277, %cond3A_278 : i32
    scf.if %cond3A_279 {
      %mul3A_514 = arith.constant 16 : i32
      %mul3A_515 = arith.muli %arg0, %mul3A_514 : i32
      %add3A_516 = arith.constant 5 : i32
      %add3A_517 = arith.addi %mul3A_515, %add3A_516 : i32
      %dma_start3A_518 = arith.constant 0 : i32
      %dma_start3A_519 = tpu.memref_slice %arg2[%add3A_517, %dma_start3A_518] : memref<32x1000000xf32, #tpu.memory_space<hbm>> -> memref<1x1000000xf32, #tpu.memory_space<hbm>>
      %dma_start3A_520 = tpu.memref_squeeze %dma_start3A_519 : memref<1x1000000xf32, #tpu.memory_space<hbm>> -> memref<1000000xf32, #tpu.memory_space<hbm>>
      tpu.enqueue_dma source(%dma_start3A_520 : memref<1000000xf32, #tpu.memory_space<hbm>>) target(%arg8 : memref<1000000xf32, #tpu.memory_space<vmem_shared>>) target_semaphore(%arg10 : memref<!tpu.dma_semaphore, #tpu.memory_space<semaphore_mem>>)
    } else {
    }
    %mul3A_280 = arith.constant 16 : i32
    %mul3A_281 = arith.muli %arg0, %mul3A_280 : i32
    %add3A_282 = arith.constant 12 : i32
    %add3A_283 = arith.addi %mul3A_281, %add3A_282 : i32
    %eq3A_284 = arith.constant 1 : i32
    %eq3A_285 = arith.cmpi eq, %arg1, %eq3A_284 : i32
    %convert_element_type3A_286 = arith.extui %eq3A_285 : i1 to i32
    %cond3A_287 = arith.constant 0 : i32
    %cond3A_288 = arith.cmpi ne, %convert_element_type3A_286, %cond3A_287 : i32
    scf.if %cond3A_288 {
      %dma_wait3A_514 = arith.constant 0 : i32
      %dma_wait3A_515 = tpu.memref_slice %arg2[%add3A_283, %dma_wait3A_514] : memref<32x1000000xf32, #tpu.memory_space<hbm>> -> memref<1x1000000xf32, #tpu.memory_space<hbm>>
      %dma_wait3A_516 = tpu.memref_squeeze %dma_wait3A_515 : memref<1x1000000xf32, #tpu.memory_space<hbm>> -> memref<1000000xf32, #tpu.memory_space<hbm>>
      tpu.wait_dma2 semaphore(%arg11 : memref<!tpu.dma_semaphore, #tpu.memory_space<semaphore_mem>>) src(%dma_wait3A_516 : memref<1000000xf32, #tpu.memory_space<hbm>>) dst(%arg9 : memref<1000000xf32, #tpu.memory_space<vmem_shared>>)
    } else {
    }
    %barrier3A_289 = arith.constant 0 : index
    tpu.barrier barrier_id(%barrier3A_289)
    %mul3A_290 = arith.constant 1024 : i32
    %mul3A_291 = arith.muli %arg1, %mul3A_290 : i32
    %dma_wait3A_292 = tpu.memref_slice %arg4[%add3A_283, %mul3A_291] : memref<32x16384xf32, #tpu.memory_space<hbm>> -> memref<1x1024xf32, #tpu.memory_space<hbm>>
    %dma_wait3A_293 = tpu.memref_squeeze %dma_wait3A_292 : memref<1x1024xf32, #tpu.memory_space<hbm>> -> memref<1024xf32, #tpu.memory_space<hbm>>
    %dma_wait3A_294 = tpu.memref_slice %arg4[%add3A_283, %mul3A_291] : memref<32x16384xf32, #tpu.memory_space<hbm>> -> memref<1x1024xf32, #tpu.memory_space<hbm>>
    %dma_wait3A_295 = tpu.memref_squeeze %dma_wait3A_294 : memref<1x1024xf32, #tpu.memory_space<hbm>> -> memref<1024xf32, #tpu.memory_space<hbm>>
    tpu.wait_dma2 semaphore(%arg13 : memref<!tpu.dma_semaphore, #tpu.memory_space<semaphore_mem>>) src(%arg7 : memref<1024xf32, #tpu.memory_space<vmem>>) dst(%dma_wait3A_295 : memref<1024xf32, #tpu.memory_space<hbm>>)
    %dma_start3A_296 = arith.constant 0 : i32
    %dma_start3A_297 = tpu.memref_slice %arg9[%dma_start3A_296] : memref<1000000xf32, #tpu.memory_space<vmem_shared>> -> memref<1000000xf32, #tpu.memory_space<vmem_shared>>
    tpu.enqueue_indirect_dma source(%dma_start3A_297 : memref<1000000xf32, #tpu.memory_space<vmem_shared>>) target(%arg7 : memref<1024xf32, #tpu.memory_space<vmem>>) offsets(%arg5 : memref<1024xi32, #tpu.memory_space<vmem>>) semaphore(%arg11 : memref<!tpu.dma_semaphore, #tpu.memory_space<semaphore_mem>>)
    %dma_wait3A_298 = arith.constant 0 : i32
    %dma_wait3A_299 = tpu.memref_slice %arg9[%dma_wait3A_298] : memref<1000000xf32, #tpu.memory_space<vmem_shared>> -> memref<1000000xf32, #tpu.memory_space<vmem_shared>>
    tpu.wait_indirect_dma semaphore(%arg11 : memref<!tpu.dma_semaphore, #tpu.memory_space<semaphore_mem>>) src(%dma_wait3A_299 : memref<1000000xf32, #tpu.memory_space<vmem_shared>>) dst(%arg7 : memref<1024xf32, #tpu.memory_space<vmem>>)
    %mul3A_300 = arith.constant 1024 : i32
    %mul3A_301 = arith.muli %arg1, %mul3A_300 : i32
    %dma_start3A_302 = tpu.memref_slice %arg4[%add3A_283, %mul3A_301] : memref<32x16384xf32, #tpu.memory_space<hbm>> -> memref<1x1024xf32, #tpu.memory_space<hbm>>
    %dma_start3A_303 = tpu.memref_squeeze %dma_start3A_302 : memref<1x1024xf32, #tpu.memory_space<hbm>> -> memref<1024xf32, #tpu.memory_space<hbm>>
    %dma_start3A_304 = tpu.memref_slice %arg4[%add3A_283, %mul3A_301] : memref<32x16384xf32, #tpu.memory_space<hbm>> -> memref<1x1024xf32, #tpu.memory_space<hbm>>
    %dma_start3A_305 = tpu.memref_squeeze %dma_start3A_304 : memref<1x1024xf32, #tpu.memory_space<hbm>> -> memref<1024xf32, #tpu.memory_space<hbm>>
    tpu.enqueue_dma source(%arg7 : memref<1024xf32, #tpu.memory_space<vmem>>) target(%dma_start3A_305 : memref<1024xf32, #tpu.memory_space<hbm>>) target_semaphore(%arg13 : memref<!tpu.dma_semaphore, #tpu.memory_space<semaphore_mem>>)
    %barrier3A_306 = arith.constant 0 : index
    tpu.barrier barrier_id(%barrier3A_306)
    %eq3A_307 = arith.constant 1 : i32
    %eq3A_308 = arith.cmpi eq, %arg1, %eq3A_307 : i32
    %convert_element_type3A_309 = arith.extui %eq3A_308 : i1 to i32
    %cond3A_310 = arith.constant 0 : i32
    %cond3A_311 = arith.cmpi ne, %convert_element_type3A_309, %cond3A_310 : i32
    scf.if %cond3A_311 {
      %mul3A_514 = arith.constant 16 : i32
      %mul3A_515 = arith.muli %arg0, %mul3A_514 : i32
      %add3A_516 = arith.constant 13 : i32
      %add3A_517 = arith.addi %mul3A_515, %add3A_516 : i32
      %dma_start3A_518 = arith.constant 0 : i32
      %dma_start3A_519 = tpu.memref_slice %arg2[%add3A_517, %dma_start3A_518] : memref<32x1000000xf32, #tpu.memory_space<hbm>> -> memref<1x1000000xf32, #tpu.memory_space<hbm>>
      %dma_start3A_520 = tpu.memref_squeeze %dma_start3A_519 : memref<1x1000000xf32, #tpu.memory_space<hbm>> -> memref<1000000xf32, #tpu.memory_space<hbm>>
      tpu.enqueue_dma source(%dma_start3A_520 : memref<1000000xf32, #tpu.memory_space<hbm>>) target(%arg9 : memref<1000000xf32, #tpu.memory_space<vmem_shared>>) target_semaphore(%arg11 : memref<!tpu.dma_semaphore, #tpu.memory_space<semaphore_mem>>)
    } else {
    }
    %mul3A_312 = arith.constant 16 : i32
    %mul3A_313 = arith.muli %arg0, %mul3A_312 : i32
    %add3A_314 = arith.constant 5 : i32
    %add3A_315 = arith.addi %mul3A_313, %add3A_314 : i32
    %eq3A_316 = arith.constant 0 : i32
    %eq3A_317 = arith.cmpi eq, %arg1, %eq3A_316 : i32
    %convert_element_type3A_318 = arith.extui %eq3A_317 : i1 to i32
    %cond3A_319 = arith.constant 0 : i32
    %cond3A_320 = arith.cmpi ne, %convert_element_type3A_318, %cond3A_319 : i32
    scf.if %cond3A_320 {
      %dma_wait3A_514 = arith.constant 0 : i32
      %dma_wait3A_515 = tpu.memref_slice %arg2[%add3A_315, %dma_wait3A_514] : memref<32x1000000xf32, #tpu.memory_space<hbm>> -> memref<1x1000000xf32, #tpu.memory_space<hbm>>
      %dma_wait3A_516 = tpu.memref_squeeze %dma_wait3A_515 : memref<1x1000000xf32, #tpu.memory_space<hbm>> -> memref<1000000xf32, #tpu.memory_space<hbm>>
      tpu.wait_dma2 semaphore(%arg10 : memref<!tpu.dma_semaphore, #tpu.memory_space<semaphore_mem>>) src(%dma_wait3A_516 : memref<1000000xf32, #tpu.memory_space<hbm>>) dst(%arg8 : memref<1000000xf32, #tpu.memory_space<vmem_shared>>)
    } else {
    }
    %barrier3A_321 = arith.constant 0 : index
    tpu.barrier barrier_id(%barrier3A_321)
    %mul3A_322 = arith.constant 1024 : i32
    %mul3A_323 = arith.muli %arg1, %mul3A_322 : i32
    %dma_wait3A_324 = tpu.memref_slice %arg4[%add3A_315, %mul3A_323] : memref<32x16384xf32, #tpu.memory_space<hbm>> -> memref<1x1024xf32, #tpu.memory_space<hbm>>
    %dma_wait3A_325 = tpu.memref_squeeze %dma_wait3A_324 : memref<1x1024xf32, #tpu.memory_space<hbm>> -> memref<1024xf32, #tpu.memory_space<hbm>>
    %dma_wait3A_326 = tpu.memref_slice %arg4[%add3A_315, %mul3A_323] : memref<32x16384xf32, #tpu.memory_space<hbm>> -> memref<1x1024xf32, #tpu.memory_space<hbm>>
    %dma_wait3A_327 = tpu.memref_squeeze %dma_wait3A_326 : memref<1x1024xf32, #tpu.memory_space<hbm>> -> memref<1024xf32, #tpu.memory_space<hbm>>
    tpu.wait_dma2 semaphore(%arg12 : memref<!tpu.dma_semaphore, #tpu.memory_space<semaphore_mem>>) src(%arg6 : memref<1024xf32, #tpu.memory_space<vmem>>) dst(%dma_wait3A_327 : memref<1024xf32, #tpu.memory_space<hbm>>)
    %dma_start3A_328 = arith.constant 0 : i32
    %dma_start3A_329 = tpu.memref_slice %arg8[%dma_start3A_328] : memref<1000000xf32, #tpu.memory_space<vmem_shared>> -> memref<1000000xf32, #tpu.memory_space<vmem_shared>>
    tpu.enqueue_indirect_dma source(%dma_start3A_329 : memref<1000000xf32, #tpu.memory_space<vmem_shared>>) target(%arg6 : memref<1024xf32, #tpu.memory_space<vmem>>) offsets(%arg5 : memref<1024xi32, #tpu.memory_space<vmem>>) semaphore(%arg10 : memref<!tpu.dma_semaphore, #tpu.memory_space<semaphore_mem>>)
    %dma_wait3A_330 = arith.constant 0 : i32
    %dma_wait3A_331 = tpu.memref_slice %arg8[%dma_wait3A_330] : memref<1000000xf32, #tpu.memory_space<vmem_shared>> -> memref<1000000xf32, #tpu.memory_space<vmem_shared>>
    tpu.wait_indirect_dma semaphore(%arg10 : memref<!tpu.dma_semaphore, #tpu.memory_space<semaphore_mem>>) src(%dma_wait3A_331 : memref<1000000xf32, #tpu.memory_space<vmem_shared>>) dst(%arg6 : memref<1024xf32, #tpu.memory_space<vmem>>)
    %mul3A_332 = arith.constant 1024 : i32
    %mul3A_333 = arith.muli %arg1, %mul3A_332 : i32
    %dma_start3A_334 = tpu.memref_slice %arg4[%add3A_315, %mul3A_333] : memref<32x16384xf32, #tpu.memory_space<hbm>> -> memref<1x1024xf32, #tpu.memory_space<hbm>>
    %dma_start3A_335 = tpu.memref_squeeze %dma_start3A_334 : memref<1x1024xf32, #tpu.memory_space<hbm>> -> memref<1024xf32, #tpu.memory_space<hbm>>
    %dma_start3A_336 = tpu.memref_slice %arg4[%add3A_315, %mul3A_333] : memref<32x16384xf32, #tpu.memory_space<hbm>> -> memref<1x1024xf32, #tpu.memory_space<hbm>>
    %dma_start3A_337 = tpu.memref_squeeze %dma_start3A_336 : memref<1x1024xf32, #tpu.memory_space<hbm>> -> memref<1024xf32, #tpu.memory_space<hbm>>
    tpu.enqueue_dma source(%arg6 : memref<1024xf32, #tpu.memory_space<vmem>>) target(%dma_start3A_337 : memref<1024xf32, #tpu.memory_space<hbm>>) target_semaphore(%arg12 : memref<!tpu.dma_semaphore, #tpu.memory_space<semaphore_mem>>)
    %barrier3A_338 = arith.constant 0 : index
    tpu.barrier barrier_id(%barrier3A_338)
    %eq3A_339 = arith.constant 0 : i32
    %eq3A_340 = arith.cmpi eq, %arg1, %eq3A_339 : i32
    %convert_element_type3A_341 = arith.extui %eq3A_340 : i1 to i32
    %cond3A_342 = arith.constant 0 : i32
    %cond3A_343 = arith.cmpi ne, %convert_element_type3A_341, %cond3A_342 : i32
    scf.if %cond3A_343 {
      %mul3A_514 = arith.constant 16 : i32
      %mul3A_515 = arith.muli %arg0, %mul3A_514 : i32
      %add3A_516 = arith.constant 6 : i32
      %add3A_517 = arith.addi %mul3A_515, %add3A_516 : i32
      %dma_start3A_518 = arith.constant 0 : i32
      %dma_start3A_519 = tpu.memref_slice %arg2[%add3A_517, %dma_start3A_518] : memref<32x1000000xf32, #tpu.memory_space<hbm>> -> memref<1x1000000xf32, #tpu.memory_space<hbm>>
      %dma_start3A_520 = tpu.memref_squeeze %dma_start3A_519 : memref<1x1000000xf32, #tpu.memory_space<hbm>> -> memref<1000000xf32, #tpu.memory_space<hbm>>
      tpu.enqueue_dma source(%dma_start3A_520 : memref<1000000xf32, #tpu.memory_space<hbm>>) target(%arg8 : memref<1000000xf32, #tpu.memory_space<vmem_shared>>) target_semaphore(%arg10 : memref<!tpu.dma_semaphore, #tpu.memory_space<semaphore_mem>>)
    } else {
    }
    %mul3A_344 = arith.constant 16 : i32
    %mul3A_345 = arith.muli %arg0, %mul3A_344 : i32
    %add3A_346 = arith.constant 13 : i32
    %add3A_347 = arith.addi %mul3A_345, %add3A_346 : i32
    %eq3A_348 = arith.constant 1 : i32
    %eq3A_349 = arith.cmpi eq, %arg1, %eq3A_348 : i32
    %convert_element_type3A_350 = arith.extui %eq3A_349 : i1 to i32
    %cond3A_351 = arith.constant 0 : i32
    %cond3A_352 = arith.cmpi ne, %convert_element_type3A_350, %cond3A_351 : i32
    scf.if %cond3A_352 {
      %dma_wait3A_514 = arith.constant 0 : i32
      %dma_wait3A_515 = tpu.memref_slice %arg2[%add3A_347, %dma_wait3A_514] : memref<32x1000000xf32, #tpu.memory_space<hbm>> -> memref<1x1000000xf32, #tpu.memory_space<hbm>>
      %dma_wait3A_516 = tpu.memref_squeeze %dma_wait3A_515 : memref<1x1000000xf32, #tpu.memory_space<hbm>> -> memref<1000000xf32, #tpu.memory_space<hbm>>
      tpu.wait_dma2 semaphore(%arg11 : memref<!tpu.dma_semaphore, #tpu.memory_space<semaphore_mem>>) src(%dma_wait3A_516 : memref<1000000xf32, #tpu.memory_space<hbm>>) dst(%arg9 : memref<1000000xf32, #tpu.memory_space<vmem_shared>>)
    } else {
    }
    %barrier3A_353 = arith.constant 0 : index
    tpu.barrier barrier_id(%barrier3A_353)
    %mul3A_354 = arith.constant 1024 : i32
    %mul3A_355 = arith.muli %arg1, %mul3A_354 : i32
    %dma_wait3A_356 = tpu.memref_slice %arg4[%add3A_347, %mul3A_355] : memref<32x16384xf32, #tpu.memory_space<hbm>> -> memref<1x1024xf32, #tpu.memory_space<hbm>>
    %dma_wait3A_357 = tpu.memref_squeeze %dma_wait3A_356 : memref<1x1024xf32, #tpu.memory_space<hbm>> -> memref<1024xf32, #tpu.memory_space<hbm>>
    %dma_wait3A_358 = tpu.memref_slice %arg4[%add3A_347, %mul3A_355] : memref<32x16384xf32, #tpu.memory_space<hbm>> -> memref<1x1024xf32, #tpu.memory_space<hbm>>
    %dma_wait3A_359 = tpu.memref_squeeze %dma_wait3A_358 : memref<1x1024xf32, #tpu.memory_space<hbm>> -> memref<1024xf32, #tpu.memory_space<hbm>>
    tpu.wait_dma2 semaphore(%arg13 : memref<!tpu.dma_semaphore, #tpu.memory_space<semaphore_mem>>) src(%arg7 : memref<1024xf32, #tpu.memory_space<vmem>>) dst(%dma_wait3A_359 : memref<1024xf32, #tpu.memory_space<hbm>>)
    %dma_start3A_360 = arith.constant 0 : i32
    %dma_start3A_361 = tpu.memref_slice %arg9[%dma_start3A_360] : memref<1000000xf32, #tpu.memory_space<vmem_shared>> -> memref<1000000xf32, #tpu.memory_space<vmem_shared>>
    tpu.enqueue_indirect_dma source(%dma_start3A_361 : memref<1000000xf32, #tpu.memory_space<vmem_shared>>) target(%arg7 : memref<1024xf32, #tpu.memory_space<vmem>>) offsets(%arg5 : memref<1024xi32, #tpu.memory_space<vmem>>) semaphore(%arg11 : memref<!tpu.dma_semaphore, #tpu.memory_space<semaphore_mem>>)
    %dma_wait3A_362 = arith.constant 0 : i32
    %dma_wait3A_363 = tpu.memref_slice %arg9[%dma_wait3A_362] : memref<1000000xf32, #tpu.memory_space<vmem_shared>> -> memref<1000000xf32, #tpu.memory_space<vmem_shared>>
    tpu.wait_indirect_dma semaphore(%arg11 : memref<!tpu.dma_semaphore, #tpu.memory_space<semaphore_mem>>) src(%dma_wait3A_363 : memref<1000000xf32, #tpu.memory_space<vmem_shared>>) dst(%arg7 : memref<1024xf32, #tpu.memory_space<vmem>>)
    %mul3A_364 = arith.constant 1024 : i32
    %mul3A_365 = arith.muli %arg1, %mul3A_364 : i32
    %dma_start3A_366 = tpu.memref_slice %arg4[%add3A_347, %mul3A_365] : memref<32x16384xf32, #tpu.memory_space<hbm>> -> memref<1x1024xf32, #tpu.memory_space<hbm>>
    %dma_start3A_367 = tpu.memref_squeeze %dma_start3A_366 : memref<1x1024xf32, #tpu.memory_space<hbm>> -> memref<1024xf32, #tpu.memory_space<hbm>>
    %dma_start3A_368 = tpu.memref_slice %arg4[%add3A_347, %mul3A_365] : memref<32x16384xf32, #tpu.memory_space<hbm>> -> memref<1x1024xf32, #tpu.memory_space<hbm>>
    %dma_start3A_369 = tpu.memref_squeeze %dma_start3A_368 : memref<1x1024xf32, #tpu.memory_space<hbm>> -> memref<1024xf32, #tpu.memory_space<hbm>>
    tpu.enqueue_dma source(%arg7 : memref<1024xf32, #tpu.memory_space<vmem>>) target(%dma_start3A_369 : memref<1024xf32, #tpu.memory_space<hbm>>) target_semaphore(%arg13 : memref<!tpu.dma_semaphore, #tpu.memory_space<semaphore_mem>>)
    %barrier3A_370 = arith.constant 0 : index
    tpu.barrier barrier_id(%barrier3A_370)
    %eq3A_371 = arith.constant 1 : i32
    %eq3A_372 = arith.cmpi eq, %arg1, %eq3A_371 : i32
    %convert_element_type3A_373 = arith.extui %eq3A_372 : i1 to i32
    %cond3A_374 = arith.constant 0 : i32
    %cond3A_375 = arith.cmpi ne, %convert_element_type3A_373, %cond3A_374 : i32
    scf.if %cond3A_375 {
      %mul3A_514 = arith.constant 16 : i32
      %mul3A_515 = arith.muli %arg0, %mul3A_514 : i32
      %add3A_516 = arith.constant 14 : i32
      %add3A_517 = arith.addi %mul3A_515, %add3A_516 : i32
      %dma_start3A_518 = arith.constant 0 : i32
      %dma_start3A_519 = tpu.memref_slice %arg2[%add3A_517, %dma_start3A_518] : memref<32x1000000xf32, #tpu.memory_space<hbm>> -> memref<1x1000000xf32, #tpu.memory_space<hbm>>
      %dma_start3A_520 = tpu.memref_squeeze %dma_start3A_519 : memref<1x1000000xf32, #tpu.memory_space<hbm>> -> memref<1000000xf32, #tpu.memory_space<hbm>>
      tpu.enqueue_dma source(%dma_start3A_520 : memref<1000000xf32, #tpu.memory_space<hbm>>) target(%arg9 : memref<1000000xf32, #tpu.memory_space<vmem_shared>>) target_semaphore(%arg11 : memref<!tpu.dma_semaphore, #tpu.memory_space<semaphore_mem>>)
    } else {
    }
    %mul3A_376 = arith.constant 16 : i32
    %mul3A_377 = arith.muli %arg0, %mul3A_376 : i32
    %add3A_378 = arith.constant 6 : i32
    %add3A_379 = arith.addi %mul3A_377, %add3A_378 : i32
    %eq3A_380 = arith.constant 0 : i32
    %eq3A_381 = arith.cmpi eq, %arg1, %eq3A_380 : i32
    %convert_element_type3A_382 = arith.extui %eq3A_381 : i1 to i32
    %cond3A_383 = arith.constant 0 : i32
    %cond3A_384 = arith.cmpi ne, %convert_element_type3A_382, %cond3A_383 : i32
    scf.if %cond3A_384 {
      %dma_wait3A_514 = arith.constant 0 : i32
      %dma_wait3A_515 = tpu.memref_slice %arg2[%add3A_379, %dma_wait3A_514] : memref<32x1000000xf32, #tpu.memory_space<hbm>> -> memref<1x1000000xf32, #tpu.memory_space<hbm>>
      %dma_wait3A_516 = tpu.memref_squeeze %dma_wait3A_515 : memref<1x1000000xf32, #tpu.memory_space<hbm>> -> memref<1000000xf32, #tpu.memory_space<hbm>>
      tpu.wait_dma2 semaphore(%arg10 : memref<!tpu.dma_semaphore, #tpu.memory_space<semaphore_mem>>) src(%dma_wait3A_516 : memref<1000000xf32, #tpu.memory_space<hbm>>) dst(%arg8 : memref<1000000xf32, #tpu.memory_space<vmem_shared>>)
    } else {
    }
    %barrier3A_385 = arith.constant 0 : index
    tpu.barrier barrier_id(%barrier3A_385)
    %mul3A_386 = arith.constant 1024 : i32
    %mul3A_387 = arith.muli %arg1, %mul3A_386 : i32
    %dma_wait3A_388 = tpu.memref_slice %arg4[%add3A_379, %mul3A_387] : memref<32x16384xf32, #tpu.memory_space<hbm>> -> memref<1x1024xf32, #tpu.memory_space<hbm>>
    %dma_wait3A_389 = tpu.memref_squeeze %dma_wait3A_388 : memref<1x1024xf32, #tpu.memory_space<hbm>> -> memref<1024xf32, #tpu.memory_space<hbm>>
    %dma_wait3A_390 = tpu.memref_slice %arg4[%add3A_379, %mul3A_387] : memref<32x16384xf32, #tpu.memory_space<hbm>> -> memref<1x1024xf32, #tpu.memory_space<hbm>>
    %dma_wait3A_391 = tpu.memref_squeeze %dma_wait3A_390 : memref<1x1024xf32, #tpu.memory_space<hbm>> -> memref<1024xf32, #tpu.memory_space<hbm>>
    tpu.wait_dma2 semaphore(%arg12 : memref<!tpu.dma_semaphore, #tpu.memory_space<semaphore_mem>>) src(%arg6 : memref<1024xf32, #tpu.memory_space<vmem>>) dst(%dma_wait3A_391 : memref<1024xf32, #tpu.memory_space<hbm>>)
    %dma_start3A_392 = arith.constant 0 : i32
    %dma_start3A_393 = tpu.memref_slice %arg8[%dma_start3A_392] : memref<1000000xf32, #tpu.memory_space<vmem_shared>> -> memref<1000000xf32, #tpu.memory_space<vmem_shared>>
    tpu.enqueue_indirect_dma source(%dma_start3A_393 : memref<1000000xf32, #tpu.memory_space<vmem_shared>>) target(%arg6 : memref<1024xf32, #tpu.memory_space<vmem>>) offsets(%arg5 : memref<1024xi32, #tpu.memory_space<vmem>>) semaphore(%arg10 : memref<!tpu.dma_semaphore, #tpu.memory_space<semaphore_mem>>)
    %dma_wait3A_394 = arith.constant 0 : i32
    %dma_wait3A_395 = tpu.memref_slice %arg8[%dma_wait3A_394] : memref<1000000xf32, #tpu.memory_space<vmem_shared>> -> memref<1000000xf32, #tpu.memory_space<vmem_shared>>
    tpu.wait_indirect_dma semaphore(%arg10 : memref<!tpu.dma_semaphore, #tpu.memory_space<semaphore_mem>>) src(%dma_wait3A_395 : memref<1000000xf32, #tpu.memory_space<vmem_shared>>) dst(%arg6 : memref<1024xf32, #tpu.memory_space<vmem>>)
    %mul3A_396 = arith.constant 1024 : i32
    %mul3A_397 = arith.muli %arg1, %mul3A_396 : i32
    %dma_start3A_398 = tpu.memref_slice %arg4[%add3A_379, %mul3A_397] : memref<32x16384xf32, #tpu.memory_space<hbm>> -> memref<1x1024xf32, #tpu.memory_space<hbm>>
    %dma_start3A_399 = tpu.memref_squeeze %dma_start3A_398 : memref<1x1024xf32, #tpu.memory_space<hbm>> -> memref<1024xf32, #tpu.memory_space<hbm>>
    %dma_start3A_400 = tpu.memref_slice %arg4[%add3A_379, %mul3A_397] : memref<32x16384xf32, #tpu.memory_space<hbm>> -> memref<1x1024xf32, #tpu.memory_space<hbm>>
    %dma_start3A_401 = tpu.memref_squeeze %dma_start3A_400 : memref<1x1024xf32, #tpu.memory_space<hbm>> -> memref<1024xf32, #tpu.memory_space<hbm>>
    tpu.enqueue_dma source(%arg6 : memref<1024xf32, #tpu.memory_space<vmem>>) target(%dma_start3A_401 : memref<1024xf32, #tpu.memory_space<hbm>>) target_semaphore(%arg12 : memref<!tpu.dma_semaphore, #tpu.memory_space<semaphore_mem>>)
    %barrier3A_402 = arith.constant 0 : index
    tpu.barrier barrier_id(%barrier3A_402)
    %eq3A_403 = arith.constant 0 : i32
    %eq3A_404 = arith.cmpi eq, %arg1, %eq3A_403 : i32
    %convert_element_type3A_405 = arith.extui %eq3A_404 : i1 to i32
    %cond3A_406 = arith.constant 0 : i32
    %cond3A_407 = arith.cmpi ne, %convert_element_type3A_405, %cond3A_406 : i32
    scf.if %cond3A_407 {
      %mul3A_514 = arith.constant 16 : i32
      %mul3A_515 = arith.muli %arg0, %mul3A_514 : i32
      %add3A_516 = arith.constant 7 : i32
      %add3A_517 = arith.addi %mul3A_515, %add3A_516 : i32
      %dma_start3A_518 = arith.constant 0 : i32
      %dma_start3A_519 = tpu.memref_slice %arg2[%add3A_517, %dma_start3A_518] : memref<32x1000000xf32, #tpu.memory_space<hbm>> -> memref<1x1000000xf32, #tpu.memory_space<hbm>>
      %dma_start3A_520 = tpu.memref_squeeze %dma_start3A_519 : memref<1x1000000xf32, #tpu.memory_space<hbm>> -> memref<1000000xf32, #tpu.memory_space<hbm>>
      tpu.enqueue_dma source(%dma_start3A_520 : memref<1000000xf32, #tpu.memory_space<hbm>>) target(%arg8 : memref<1000000xf32, #tpu.memory_space<vmem_shared>>) target_semaphore(%arg10 : memref<!tpu.dma_semaphore, #tpu.memory_space<semaphore_mem>>)
    } else {
    }
    %mul3A_408 = arith.constant 16 : i32
    %mul3A_409 = arith.muli %arg0, %mul3A_408 : i32
    %add3A_410 = arith.constant 14 : i32
    %add3A_411 = arith.addi %mul3A_409, %add3A_410 : i32
    %eq3A_412 = arith.constant 1 : i32
    %eq3A_413 = arith.cmpi eq, %arg1, %eq3A_412 : i32
    %convert_element_type3A_414 = arith.extui %eq3A_413 : i1 to i32
    %cond3A_415 = arith.constant 0 : i32
    %cond3A_416 = arith.cmpi ne, %convert_element_type3A_414, %cond3A_415 : i32
    scf.if %cond3A_416 {
      %dma_wait3A_514 = arith.constant 0 : i32
      %dma_wait3A_515 = tpu.memref_slice %arg2[%add3A_411, %dma_wait3A_514] : memref<32x1000000xf32, #tpu.memory_space<hbm>> -> memref<1x1000000xf32, #tpu.memory_space<hbm>>
      %dma_wait3A_516 = tpu.memref_squeeze %dma_wait3A_515 : memref<1x1000000xf32, #tpu.memory_space<hbm>> -> memref<1000000xf32, #tpu.memory_space<hbm>>
      tpu.wait_dma2 semaphore(%arg11 : memref<!tpu.dma_semaphore, #tpu.memory_space<semaphore_mem>>) src(%dma_wait3A_516 : memref<1000000xf32, #tpu.memory_space<hbm>>) dst(%arg9 : memref<1000000xf32, #tpu.memory_space<vmem_shared>>)
    } else {
    }
    %barrier3A_417 = arith.constant 0 : index
    tpu.barrier barrier_id(%barrier3A_417)
    %mul3A_418 = arith.constant 1024 : i32
    %mul3A_419 = arith.muli %arg1, %mul3A_418 : i32
    %dma_wait3A_420 = tpu.memref_slice %arg4[%add3A_411, %mul3A_419] : memref<32x16384xf32, #tpu.memory_space<hbm>> -> memref<1x1024xf32, #tpu.memory_space<hbm>>
    %dma_wait3A_421 = tpu.memref_squeeze %dma_wait3A_420 : memref<1x1024xf32, #tpu.memory_space<hbm>> -> memref<1024xf32, #tpu.memory_space<hbm>>
    %dma_wait3A_422 = tpu.memref_slice %arg4[%add3A_411, %mul3A_419] : memref<32x16384xf32, #tpu.memory_space<hbm>> -> memref<1x1024xf32, #tpu.memory_space<hbm>>
    %dma_wait3A_423 = tpu.memref_squeeze %dma_wait3A_422 : memref<1x1024xf32, #tpu.memory_space<hbm>> -> memref<1024xf32, #tpu.memory_space<hbm>>
    tpu.wait_dma2 semaphore(%arg13 : memref<!tpu.dma_semaphore, #tpu.memory_space<semaphore_mem>>) src(%arg7 : memref<1024xf32, #tpu.memory_space<vmem>>) dst(%dma_wait3A_423 : memref<1024xf32, #tpu.memory_space<hbm>>)
    %dma_start3A_424 = arith.constant 0 : i32
    %dma_start3A_425 = tpu.memref_slice %arg9[%dma_start3A_424] : memref<1000000xf32, #tpu.memory_space<vmem_shared>> -> memref<1000000xf32, #tpu.memory_space<vmem_shared>>
    tpu.enqueue_indirect_dma source(%dma_start3A_425 : memref<1000000xf32, #tpu.memory_space<vmem_shared>>) target(%arg7 : memref<1024xf32, #tpu.memory_space<vmem>>) offsets(%arg5 : memref<1024xi32, #tpu.memory_space<vmem>>) semaphore(%arg11 : memref<!tpu.dma_semaphore, #tpu.memory_space<semaphore_mem>>)
    %dma_wait3A_426 = arith.constant 0 : i32
    %dma_wait3A_427 = tpu.memref_slice %arg9[%dma_wait3A_426] : memref<1000000xf32, #tpu.memory_space<vmem_shared>> -> memref<1000000xf32, #tpu.memory_space<vmem_shared>>
    tpu.wait_indirect_dma semaphore(%arg11 : memref<!tpu.dma_semaphore, #tpu.memory_space<semaphore_mem>>) src(%dma_wait3A_427 : memref<1000000xf32, #tpu.memory_space<vmem_shared>>) dst(%arg7 : memref<1024xf32, #tpu.memory_space<vmem>>)
    %mul3A_428 = arith.constant 1024 : i32
    %mul3A_429 = arith.muli %arg1, %mul3A_428 : i32
    %dma_start3A_430 = tpu.memref_slice %arg4[%add3A_411, %mul3A_429] : memref<32x16384xf32, #tpu.memory_space<hbm>> -> memref<1x1024xf32, #tpu.memory_space<hbm>>
    %dma_start3A_431 = tpu.memref_squeeze %dma_start3A_430 : memref<1x1024xf32, #tpu.memory_space<hbm>> -> memref<1024xf32, #tpu.memory_space<hbm>>
    %dma_start3A_432 = tpu.memref_slice %arg4[%add3A_411, %mul3A_429] : memref<32x16384xf32, #tpu.memory_space<hbm>> -> memref<1x1024xf32, #tpu.memory_space<hbm>>
    %dma_start3A_433 = tpu.memref_squeeze %dma_start3A_432 : memref<1x1024xf32, #tpu.memory_space<hbm>> -> memref<1024xf32, #tpu.memory_space<hbm>>
    tpu.enqueue_dma source(%arg7 : memref<1024xf32, #tpu.memory_space<vmem>>) target(%dma_start3A_433 : memref<1024xf32, #tpu.memory_space<hbm>>) target_semaphore(%arg13 : memref<!tpu.dma_semaphore, #tpu.memory_space<semaphore_mem>>)
    %barrier3A_434 = arith.constant 0 : index
    tpu.barrier barrier_id(%barrier3A_434)
    %eq3A_435 = arith.constant 1 : i32
    %eq3A_436 = arith.cmpi eq, %arg1, %eq3A_435 : i32
    %convert_element_type3A_437 = arith.extui %eq3A_436 : i1 to i32
    %cond3A_438 = arith.constant 0 : i32
    %cond3A_439 = arith.cmpi ne, %convert_element_type3A_437, %cond3A_438 : i32
    scf.if %cond3A_439 {
      %mul3A_514 = arith.constant 16 : i32
      %mul3A_515 = arith.muli %arg0, %mul3A_514 : i32
      %add3A_516 = arith.constant 15 : i32
      %add3A_517 = arith.addi %mul3A_515, %add3A_516 : i32
      %dma_start3A_518 = arith.constant 0 : i32
      %dma_start3A_519 = tpu.memref_slice %arg2[%add3A_517, %dma_start3A_518] : memref<32x1000000xf32, #tpu.memory_space<hbm>> -> memref<1x1000000xf32, #tpu.memory_space<hbm>>
      %dma_start3A_520 = tpu.memref_squeeze %dma_start3A_519 : memref<1x1000000xf32, #tpu.memory_space<hbm>> -> memref<1000000xf32, #tpu.memory_space<hbm>>
      tpu.enqueue_dma source(%dma_start3A_520 : memref<1000000xf32, #tpu.memory_space<hbm>>) target(%arg9 : memref<1000000xf32, #tpu.memory_space<vmem_shared>>) target_semaphore(%arg11 : memref<!tpu.dma_semaphore, #tpu.memory_space<semaphore_mem>>)
    } else {
    }
    %mul3A_440 = arith.constant 16 : i32
    %mul3A_441 = arith.muli %arg0, %mul3A_440 : i32
    %add3A_442 = arith.constant 7 : i32
    %add3A_443 = arith.addi %mul3A_441, %add3A_442 : i32
    %eq3A_444 = arith.constant 0 : i32
    %eq3A_445 = arith.cmpi eq, %arg1, %eq3A_444 : i32
    %convert_element_type3A_446 = arith.extui %eq3A_445 : i1 to i32
    %cond3A_447 = arith.constant 0 : i32
    %cond3A_448 = arith.cmpi ne, %convert_element_type3A_446, %cond3A_447 : i32
    scf.if %cond3A_448 {
      %dma_wait3A_514 = arith.constant 0 : i32
      %dma_wait3A_515 = tpu.memref_slice %arg2[%add3A_443, %dma_wait3A_514] : memref<32x1000000xf32, #tpu.memory_space<hbm>> -> memref<1x1000000xf32, #tpu.memory_space<hbm>>
      %dma_wait3A_516 = tpu.memref_squeeze %dma_wait3A_515 : memref<1x1000000xf32, #tpu.memory_space<hbm>> -> memref<1000000xf32, #tpu.memory_space<hbm>>
      tpu.wait_dma2 semaphore(%arg10 : memref<!tpu.dma_semaphore, #tpu.memory_space<semaphore_mem>>) src(%dma_wait3A_516 : memref<1000000xf32, #tpu.memory_space<hbm>>) dst(%arg8 : memref<1000000xf32, #tpu.memory_space<vmem_shared>>)
    } else {
    }
    %barrier3A_449 = arith.constant 0 : index
    tpu.barrier barrier_id(%barrier3A_449)
    %mul3A_450 = arith.constant 1024 : i32
    %mul3A_451 = arith.muli %arg1, %mul3A_450 : i32
    %dma_wait3A_452 = tpu.memref_slice %arg4[%add3A_443, %mul3A_451] : memref<32x16384xf32, #tpu.memory_space<hbm>> -> memref<1x1024xf32, #tpu.memory_space<hbm>>
    %dma_wait3A_453 = tpu.memref_squeeze %dma_wait3A_452 : memref<1x1024xf32, #tpu.memory_space<hbm>> -> memref<1024xf32, #tpu.memory_space<hbm>>
    %dma_wait3A_454 = tpu.memref_slice %arg4[%add3A_443, %mul3A_451] : memref<32x16384xf32, #tpu.memory_space<hbm>> -> memref<1x1024xf32, #tpu.memory_space<hbm>>
    %dma_wait3A_455 = tpu.memref_squeeze %dma_wait3A_454 : memref<1x1024xf32, #tpu.memory_space<hbm>> -> memref<1024xf32, #tpu.memory_space<hbm>>
    tpu.wait_dma2 semaphore(%arg12 : memref<!tpu.dma_semaphore, #tpu.memory_space<semaphore_mem>>) src(%arg6 : memref<1024xf32, #tpu.memory_space<vmem>>) dst(%dma_wait3A_455 : memref<1024xf32, #tpu.memory_space<hbm>>)
    %dma_start3A_456 = arith.constant 0 : i32
    %dma_start3A_457 = tpu.memref_slice %arg8[%dma_start3A_456] : memref<1000000xf32, #tpu.memory_space<vmem_shared>> -> memref<1000000xf32, #tpu.memory_space<vmem_shared>>
    tpu.enqueue_indirect_dma source(%dma_start3A_457 : memref<1000000xf32, #tpu.memory_space<vmem_shared>>) target(%arg6 : memref<1024xf32, #tpu.memory_space<vmem>>) offsets(%arg5 : memref<1024xi32, #tpu.memory_space<vmem>>) semaphore(%arg10 : memref<!tpu.dma_semaphore, #tpu.memory_space<semaphore_mem>>)
    %dma_wait3A_458 = arith.constant 0 : i32
    %dma_wait3A_459 = tpu.memref_slice %arg8[%dma_wait3A_458] : memref<1000000xf32, #tpu.memory_space<vmem_shared>> -> memref<1000000xf32, #tpu.memory_space<vmem_shared>>
    tpu.wait_indirect_dma semaphore(%arg10 : memref<!tpu.dma_semaphore, #tpu.memory_space<semaphore_mem>>) src(%dma_wait3A_459 : memref<1000000xf32, #tpu.memory_space<vmem_shared>>) dst(%arg6 : memref<1024xf32, #tpu.memory_space<vmem>>)
    %mul3A_460 = arith.constant 1024 : i32
    %mul3A_461 = arith.muli %arg1, %mul3A_460 : i32
    %dma_start3A_462 = tpu.memref_slice %arg4[%add3A_443, %mul3A_461] : memref<32x16384xf32, #tpu.memory_space<hbm>> -> memref<1x1024xf32, #tpu.memory_space<hbm>>
    %dma_start3A_463 = tpu.memref_squeeze %dma_start3A_462 : memref<1x1024xf32, #tpu.memory_space<hbm>> -> memref<1024xf32, #tpu.memory_space<hbm>>
    %dma_start3A_464 = tpu.memref_slice %arg4[%add3A_443, %mul3A_461] : memref<32x16384xf32, #tpu.memory_space<hbm>> -> memref<1x1024xf32, #tpu.memory_space<hbm>>
    %dma_start3A_465 = tpu.memref_squeeze %dma_start3A_464 : memref<1x1024xf32, #tpu.memory_space<hbm>> -> memref<1024xf32, #tpu.memory_space<hbm>>
    tpu.enqueue_dma source(%arg6 : memref<1024xf32, #tpu.memory_space<vmem>>) target(%dma_start3A_465 : memref<1024xf32, #tpu.memory_space<hbm>>) target_semaphore(%arg12 : memref<!tpu.dma_semaphore, #tpu.memory_space<semaphore_mem>>)
    %barrier3A_466 = arith.constant 0 : index
    tpu.barrier barrier_id(%barrier3A_466)
    %mul3A_467 = arith.constant 16 : i32
    %mul3A_468 = arith.muli %arg0, %mul3A_467 : i32
    %add3A_469 = arith.constant 15 : i32
    %add3A_470 = arith.addi %mul3A_468, %add3A_469 : i32
    %eq3A_471 = arith.constant 1 : i32
    %eq3A_472 = arith.cmpi eq, %arg1, %eq3A_471 : i32
    %convert_element_type3A_473 = arith.extui %eq3A_472 : i1 to i32
    %cond3A_474 = arith.constant 0 : i32
    %cond3A_475 = arith.cmpi ne, %convert_element_type3A_473, %cond3A_474 : i32
    scf.if %cond3A_475 {
      %dma_wait3A_514 = arith.constant 0 : i32
      %dma_wait3A_515 = tpu.memref_slice %arg2[%add3A_470, %dma_wait3A_514] : memref<32x1000000xf32, #tpu.memory_space<hbm>> -> memref<1x1000000xf32, #tpu.memory_space<hbm>>
      %dma_wait3A_516 = tpu.memref_squeeze %dma_wait3A_515 : memref<1x1000000xf32, #tpu.memory_space<hbm>> -> memref<1000000xf32, #tpu.memory_space<hbm>>
      tpu.wait_dma2 semaphore(%arg11 : memref<!tpu.dma_semaphore, #tpu.memory_space<semaphore_mem>>) src(%dma_wait3A_516 : memref<1000000xf32, #tpu.memory_space<hbm>>) dst(%arg9 : memref<1000000xf32, #tpu.memory_space<vmem_shared>>)
    } else {
    }
    %barrier3A_476 = arith.constant 0 : index
    tpu.barrier barrier_id(%barrier3A_476)
    %mul3A_477 = arith.constant 1024 : i32
    %mul3A_478 = arith.muli %arg1, %mul3A_477 : i32
    %dma_wait3A_479 = tpu.memref_slice %arg4[%add3A_470, %mul3A_478] : memref<32x16384xf32, #tpu.memory_space<hbm>> -> memref<1x1024xf32, #tpu.memory_space<hbm>>
    %dma_wait3A_480 = tpu.memref_squeeze %dma_wait3A_479 : memref<1x1024xf32, #tpu.memory_space<hbm>> -> memref<1024xf32, #tpu.memory_space<hbm>>
    %dma_wait3A_481 = tpu.memref_slice %arg4[%add3A_470, %mul3A_478] : memref<32x16384xf32, #tpu.memory_space<hbm>> -> memref<1x1024xf32, #tpu.memory_space<hbm>>
    %dma_wait3A_482 = tpu.memref_squeeze %dma_wait3A_481 : memref<1x1024xf32, #tpu.memory_space<hbm>> -> memref<1024xf32, #tpu.memory_space<hbm>>
    tpu.wait_dma2 semaphore(%arg13 : memref<!tpu.dma_semaphore, #tpu.memory_space<semaphore_mem>>) src(%arg7 : memref<1024xf32, #tpu.memory_space<vmem>>) dst(%dma_wait3A_482 : memref<1024xf32, #tpu.memory_space<hbm>>)
    %dma_start3A_483 = arith.constant 0 : i32
    %dma_start3A_484 = tpu.memref_slice %arg9[%dma_start3A_483] : memref<1000000xf32, #tpu.memory_space<vmem_shared>> -> memref<1000000xf32, #tpu.memory_space<vmem_shared>>
    tpu.enqueue_indirect_dma source(%dma_start3A_484 : memref<1000000xf32, #tpu.memory_space<vmem_shared>>) target(%arg7 : memref<1024xf32, #tpu.memory_space<vmem>>) offsets(%arg5 : memref<1024xi32, #tpu.memory_space<vmem>>) semaphore(%arg11 : memref<!tpu.dma_semaphore, #tpu.memory_space<semaphore_mem>>)
    %dma_wait3A_485 = arith.constant 0 : i32
    %dma_wait3A_486 = tpu.memref_slice %arg9[%dma_wait3A_485] : memref<1000000xf32, #tpu.memory_space<vmem_shared>> -> memref<1000000xf32, #tpu.memory_space<vmem_shared>>
    tpu.wait_indirect_dma semaphore(%arg11 : memref<!tpu.dma_semaphore, #tpu.memory_space<semaphore_mem>>) src(%dma_wait3A_486 : memref<1000000xf32, #tpu.memory_space<vmem_shared>>) dst(%arg7 : memref<1024xf32, #tpu.memory_space<vmem>>)
    %mul3A_487 = arith.constant 1024 : i32
    %mul3A_488 = arith.muli %arg1, %mul3A_487 : i32
    %dma_start3A_489 = tpu.memref_slice %arg4[%add3A_470, %mul3A_488] : memref<32x16384xf32, #tpu.memory_space<hbm>> -> memref<1x1024xf32, #tpu.memory_space<hbm>>
    %dma_start3A_490 = tpu.memref_squeeze %dma_start3A_489 : memref<1x1024xf32, #tpu.memory_space<hbm>> -> memref<1024xf32, #tpu.memory_space<hbm>>
    %dma_start3A_491 = tpu.memref_slice %arg4[%add3A_470, %mul3A_488] : memref<32x16384xf32, #tpu.memory_space<hbm>> -> memref<1x1024xf32, #tpu.memory_space<hbm>>
    %dma_start3A_492 = tpu.memref_squeeze %dma_start3A_491 : memref<1x1024xf32, #tpu.memory_space<hbm>> -> memref<1024xf32, #tpu.memory_space<hbm>>
    tpu.enqueue_dma source(%arg7 : memref<1024xf32, #tpu.memory_space<vmem>>) target(%dma_start3A_492 : memref<1024xf32, #tpu.memory_space<hbm>>) target_semaphore(%arg13 : memref<!tpu.dma_semaphore, #tpu.memory_space<semaphore_mem>>)
    %barrier3A_493 = arith.constant 0 : index
    tpu.barrier barrier_id(%barrier3A_493)
    %mul3A_494 = arith.constant 16 : i32
    %mul3A_495 = arith.muli %arg0, %mul3A_494 : i32
    %add3A_496 = arith.constant 7 : i32
    %add3A_497 = arith.addi %mul3A_495, %add3A_496 : i32
    %mul3A_498 = arith.constant 1024 : i32
    %mul3A_499 = arith.muli %arg1, %mul3A_498 : i32
    %dma_wait3A_500 = tpu.memref_slice %arg4[%add3A_497, %mul3A_499] : memref<32x16384xf32, #tpu.memory_space<hbm>> -> memref<1x1024xf32, #tpu.memory_space<hbm>>
    %dma_wait3A_501 = tpu.memref_squeeze %dma_wait3A_500 : memref<1x1024xf32, #tpu.memory_space<hbm>> -> memref<1024xf32, #tpu.memory_space<hbm>>
    %dma_wait3A_502 = tpu.memref_slice %arg4[%add3A_497, %mul3A_499] : memref<32x16384xf32, #tpu.memory_space<hbm>> -> memref<1x1024xf32, #tpu.memory_space<hbm>>
    %dma_wait3A_503 = tpu.memref_squeeze %dma_wait3A_502 : memref<1x1024xf32, #tpu.memory_space<hbm>> -> memref<1024xf32, #tpu.memory_space<hbm>>
    tpu.wait_dma2 semaphore(%arg12 : memref<!tpu.dma_semaphore, #tpu.memory_space<semaphore_mem>>) src(%arg6 : memref<1024xf32, #tpu.memory_space<vmem>>) dst(%dma_wait3A_503 : memref<1024xf32, #tpu.memory_space<hbm>>)
    %mul3A_504 = arith.constant 16 : i32
    %mul3A_505 = arith.muli %arg0, %mul3A_504 : i32
    %add3A_506 = arith.constant 15 : i32
    %add3A_507 = arith.addi %mul3A_505, %add3A_506 : i32
    %mul3A_508 = arith.constant 1024 : i32
    %mul3A_509 = arith.muli %arg1, %mul3A_508 : i32
    %dma_wait3A_510 = tpu.memref_slice %arg4[%add3A_507, %mul3A_509] : memref<32x16384xf32, #tpu.memory_space<hbm>> -> memref<1x1024xf32, #tpu.memory_space<hbm>>
    %dma_wait3A_511 = tpu.memref_squeeze %dma_wait3A_510 : memref<1x1024xf32, #tpu.memory_space<hbm>> -> memref<1024xf32, #tpu.memory_space<hbm>>
    %dma_wait3A_512 = tpu.memref_slice %arg4[%add3A_507, %mul3A_509] : memref<32x16384xf32, #tpu.memory_space<hbm>> -> memref<1x1024xf32, #tpu.memory_space<hbm>>
    %dma_wait3A_513 = tpu.memref_squeeze %dma_wait3A_512 : memref<1x1024xf32, #tpu.memory_space<hbm>> -> memref<1024xf32, #tpu.memory_space<hbm>>
    tpu.wait_dma2 semaphore(%arg13 : memref<!tpu.dma_semaphore, #tpu.memory_space<semaphore_mem>>) src(%arg7 : memref<1024xf32, #tpu.memory_space<vmem>>) dst(%dma_wait3A_513 : memref<1024xf32, #tpu.memory_space<hbm>>)
    return
  }
}

</mosaic_0001>

<sc_bundles>
// kernel: kernel.3.cloned.1.call-start
scs
__scs_entry_jumppad:
0x0: {  	(pc) =	sbr.rel $0x88, $3  }
0x1: {  	(tag) =	ssettag $0x0;
	lr =	simm.s32 $0x1  }
0x2: {  	[smem:$0x3F9E] =	sst lr;
	_ =	strace $0xD0000000  }
0x3: {  	_ = 	snop  }
0x4: {  	_ = 	snop  }
0x5: {  	_ = 	snop  }
0x6: {  	_ = 	snop  }
0x7: {  	_ = 	snop  }
__scs_overlays_trampoline_lowered:
0x8: {  	[smem:$0x3FAD] =	sst s0  }
0x9: {  	[smem:$0x3FAE] =	sst s1  }
0xa: {  	[smem:$0x3FAF] =	sst s2  }
0xb: {  	[smem:$0x3FB0] =	sst s3  }
0xc: {  	[smem:$0x3FB1] =	sst s4  }
0xd: {  	[smem:$0x3FB2] =	sst s5  }
0xe: {  	[smem:$0x3FB3] =	sst s6  }
0xf: {  	[smem:$0x3FB4] =	sst s7  }
0x10: {  	[smem:$0x3FB5] =	sst s8  }
0x11: {  	[smem:$0x3FB6] =	sst s9;
	s0 =	simm.s32 @!p0 $0x0  }
0x12: {  	s1 =	sld [smem:$0x3F9C];
	s0 =	simm.s32 @p0 $0x1  }
0x13: {  	[smem:$0x3FB7] =	sst s0;
	s0 =	simm.s32 @!p1 $0x0  }
0x14: {  	s2 =	sld [smem:$0x3F9B];
	s0 =	simm.s32 @p1 $0x1  }
0x15: {  	[smem:$0x3FB8] =	sst s0;
	s0 =	simm.s32 @!p2 $0x0  }
0x16: {  	s3 =	sld [smem:$0x3FDB];
	s0 =	simm.s32 @p2 $0x1  }
0x17: {  	s4 =	simm.s32 $0x1BF5;
	[smem:$0x3FBA] =	sst s0  }
0x18: {  	s0 =	sld [smem:$0x3F9D];
	_ =	swait.ge [sflag:s4], $0x0  }
0x19: {  	s7 =	sld [smem:$0x3F9E]  }
0x1a: {  	s8 =	sadd.s32 $0xFFFFE003, lr  }
0x1b: {  	s9 =	sadd.s32 $0xFFFFFEF7, lr;
	s5 =	simm.s32 $0xFFFFFFFF;
	p2 =	slt.u32 s8, $0xFFFFF086  }
0x1c: {  	p1 =	slt.u32 s9, $0xF7A;
	s5 =	simm.s32 @!p2 $0x0  }
0x1d: {  	s5 =	simm.s32 @p1 $0x1;
	p0 =	seq.s32 s7, s2  }
0x1e: {  	s7 =	smul.u32 @!p0 $0xF7A, s2;
	p2 =	seq.s32 @!p0 s5, $0x0  }
0x1f: {  	s9 =	smul.u32 $0xF7A, s1;
	s8 =	simm.s32 @!p0 $0x1BF5;
	p2 =	por !p2, p0  }
0x20: {  	[sflag:s8] =	ssyncset.s32 @!p0 $0xFFFFF086;
	s6 =	sadd.s32 @!p0 s3, s7;
	s7 =	simm.s32 @!p0 $0x108  }
0x21: {  	s3 =	sadd.s32 s3, s9;
	s6 =	sadd.s32 @!p0 $0x88, s6;
	s7 =	simm.s32 @p2 $0x1082  }
0x22: {  	[simem:s7], [sflag:s8] =	dma.local @!p0 [hbm:s6], $0xF7A  }
0x23: {  	s9 =	sor.u32 $0xD0000000, s2;
	s6 =	simm.s32 $0x108;
	_ =	swait.ge @!p0 [sflag:s8], $0x0  }
0x24: {  	s3 =	sadd.s32 $0x88, s3;
	s6 =	simm.s32 @!p1 $0x1082;
	[sflag:s4] =	ssyncset.s32 $0xFFFFF086  }
0x25: {  	[simem:s6], [sflag:s4] =	dma.local [hbm:s3], $0xF7A  }
0x26: {  	[smem:$0x3F9E] =	sst s1;
	(tag) =	ssettag s2;
	_ =	strace s9  }
0x27: {  	s1 =	sld [smem:$0x3FAE]  }
0x28: {  	s2 =	sld [smem:$0x3FAF]  }
0x29: {  	s4 =	sld [smem:$0x3FB1]  }
0x2a: {  	p0 =	seq.s32 s5, $0x0;
	s5 =	sld [smem:$0x3FB2]  }
0x2b: {  	s6 =	sld [smem:$0x3FB3]  }
0x2c: {  	s7 =	sld [smem:$0x3FB4]  }
0x2d: {  	s3 =	simm.s32 $0x108;
	s8 =	sld [smem:$0x3FB5]  }
0x2e: {  	s3 =	simm.s32 @!p0 $0x1082;
	s9 =	sld [smem:$0x3FB6]  }
0x2f: {  	lr =	sadd.s32 s0, s3;
	s0 =	sld [smem:$0x3FAD]  }
0x30: {  	s3 =	sld [smem:$0x3FB0]  }
0x31: {  	[smem:$0x3FB9] =	sst s10  }
0x32: {  	s10 =	sld [smem:$0x3FB7];
	_ =	sdelay $0x3  }
0x33: {  	p0 =	seq.s32 s10, $0x1;
	s10 =	sld [smem:$0x3FB9];
	_ =	sdelay $0x3  }
0x34: {  	[smem:$0x3FB9] =	sst s10  }
0x35: {  	s10 =	sld [smem:$0x3FB8];
	_ =	sdelay $0x3  }
0x36: {  	p1 =	seq.s32 s10, $0x1;
	s10 =	sld [smem:$0x3FB9];
	_ =	sdelay $0x3  }
0x37: {  	[smem:$0x3FB9] =	sst s10  }
0x38: {  	s10 =	sld [smem:$0x3FBA]  }
0x39: {  	_ = 	snop;
	(pc) =	sbr.ind lr, $3  }
0x3a: {  	_ = 	snop  }
0x3b: {  	_ = 	snop  }
0x3c: {  	p2 =	seq.s32 s10, $0x1;
	s10 =	sld [smem:$0x3FB9]  }
0x3d: {  	_ =	shalt  }
0x3e: {  	_ =	shalt  }
0x3f: {  	_ =	shalt  }
0x40: {  	_ =	shalt  }
0x41: {  	_ =	shalt  }
0x42: {  	_ =	shalt  }
0x43: {  	_ =	shalt  }
0x44: {  	_ =	shalt  }
0x45: {  	_ =	shalt  }
0x46: {  	_ =	shalt  }
0x47: {  	_ =	shalt  }
0x48: {  	_ =	shalt  }
0x49: {  	_ =	shalt  }
0x4a: {  	_ =	shalt  }
0x4b: {  	_ =	shalt  }
0x4c: {  	_ =	shalt  }
0x4d: {  	_ =	shalt  }
0x4e: {  	_ =	shalt  }
0x4f: {  	_ =	shalt  }
0x50: {  	_ =	shalt  }
0x51: {  	_ =	shalt  }
0x52: {  	_ =	shalt  }
0x53: {  	_ =	shalt  }
0x54: {  	_ =	shalt  }
0x55: {  	_ =	shalt  }
0x56: {  	_ =	shalt  }
0x57: {  	_ =	shalt  }
0x58: {  	_ =	shalt  }
0x59: {  	_ =	shalt  }
0x5a: {  	_ =	shalt  }
0x5b: {  	_ =	shalt  }
0x5c: {  	_ =	shalt  }
0x5d: {  	_ =	shalt  }
0x5e: {  	_ =	shalt  }
0x5f: {  	_ =	shalt  }
0x60: {  	_ =	shalt  }
0x61: {  	_ =	shalt  }
0x62: {  	_ =	shalt  }
0x63: {  	_ =	shalt  }
0x64: {  	_ =	shalt  }
0x65: {  	_ =	shalt  }
0x66: {  	_ =	shalt  }
0x67: {  	_ =	shalt  }
0x68: {  	_ =	shalt  }
0x69: {  	_ =	shalt  }
0x6a: {  	_ =	shalt  }
0x6b: {  	_ =	shalt  }
0x6c: {  	_ =	shalt  }
0x6d: {  	_ =	shalt  }
0x6e: {  	_ =	shalt  }
0x6f: {  	_ =	shalt  }
0x70: {  	_ =	shalt  }
0x71: {  	_ =	shalt  }
0x72: {  	_ =	shalt  }
0x73: {  	_ =	shalt  }
0x74: {  	_ =	shalt  }
0x75: {  	_ =	shalt  }
0x76: {  	_ =	shalt  }
0x77: {  	_ =	shalt  }
0x78: {  	_ =	shalt  }
0x79: {  	_ =	shalt  }
0x7a: {  	_ =	shalt  }
0x7b: {  	_ =	shalt  }
0x7c: {  	_ =	shalt  }
0x7d: {  	_ =	shalt  }
0x7e: {  	_ =	shalt  }
0x7f: {  	_ =	shalt  }
0x80: {  	_ =	shalt  }
0x81: {  	_ =	shalt  }
0x82: {  	_ =	shalt  }
0x83: {  	_ =	shalt  }
0x84: {  	_ =	shalt  }
0x85: {  	_ =	shalt  }
0x86: {  	_ =	shalt  }
0x87: {  	_ =	shalt  }
.Lfunc_end0:
.L_simem_size_0:
called_computation_lowered:
.L_overlay_start_0:
0x88: {  	s2 =	sld [smem:$0x3FD9]  }
0x89: {  	s3 =	sld [smem:$0x3FFE];
	_ =	sdelay $0x1  }
0x8a: {  	s1 =	srdreg.scid  }
0x8b: {  	s0 =	sand.u32 $0x1, s1  }
0x8c: {  	s17 =	sshll.u32 s0, $0xA;
	s2 =	sadd.s32 s3, s2  }
0x8d: {  	s2 =	sadd.s32 s2, s17  }
0x8e: {  	[smem:$0x3FC5] =	sst s2  }
0x8f: {  	_ = 	snop  }
0x90: {  	s2 =	sld [smem:$0x3FC7]  }
0x91: {  	s18 =	sld [smem:$0x3FD0];
	(tm) =	ssettm $0x1  }
0x92: {  	s4 =	sld [smem:$0x3FFB];
	_ =	sdelay $0x3  }
0x93: {  	_ =	strace s4  }
0x94: {  	s4 =	sld [smem:$0x3FFC];
	_ =	sdelay $0x3  }
0x95: {  	_ =	strace s4  }
0x96: {  	s4 =	sld [smem:$0x3FFD];
	_ =	sdelay $0x3  }
0x97: {  	_ =	strace s4  }
0x98: {  	_ =	strace $0x8FFFFFFF  }
0x99: {  	s19 =	sld [smem:$0x3FDB];
	_ =	sdelay $0x1  }
0x9a: {  	s5 =	simm.s32 $_scs_section_size  }
0x9b: {  	s6 =	simm.s32 $_size__tile_overlayer_lowered;
	s7 =	simm.s32 $_tile_overlayer_lowered  }
0x9c: {  	s22 =	simm.s32 $0x1BFF;
	s21 =	sshll.u32 s7, $0x1;
	s4 =	sadd.s32 s5, s19  }
0x9d: {  	s8 =	simm.s32 $0x0;
	s20 =	sshll.u32 s6, $0x1;
	s6 =	sadd.s32 s21, s4  }
0x9e: {  	[timem:s8], [sflag:s22] =	dma.local [hbm:s6], s20  }
0x9f: {  	_ =	swait.ge [sflag:s22], s20  }
0xa0: {  	s5 =	ssub.s32 $0x0, s20;
	[sflag:s22] =	ssyncset.done $0x0  }
0xa1: {  	[sflag:s22] =	ssyncadd.s32 s5;
	_ =	sdelay $0x1  }
0xa2: {  	s23 =	simm.s32 $0x1B8B  }
0xa3: {  	_ =	swait.ge [sflag:s23], $0x1  }
0xa4: {  	[sflag:s23] =	ssyncset.done $0x0  }
0xa5: {  	s25 =	simm.s32 $0x1B8E;
	s24 =	sld [smem:$0x3FFE];
	[sflag:s23] =	ssyncadd.s32 $0xFFFFFFFF  }
0xa6: {  	s26 =	simm.s32 $execute0_lowered;
	[smem:$0x3FD2] =	sst s25  }
0xa7: {  	s6 =	sshll.u32 s26, $0x1;
	_ =	strace $0x80000046;
	[dreg:$0x1] =	wrdreg $0xFFFFFFFF  }
0xa8: {  	s28 =	simm.s32 $_size_execute0_lowered;
	s4 =	sadd.s32 s4, s6;
	[dreg:$0x0] =	wrdreg $0x0  }
0xa9: {  	s6 =	sshll.u32 s28, $0x1;
	[dreg:$0x2] =	wrdreg s4  }
0xaa: {  	[dreg:$0x3] =	wrdreg s6  }
0xab: {  	[dreg:$0x4] =	wrdreg $0xC0  }
0xac: {  	_ =	task [dreg:s8], $0x5FFFF  }
0xad: {  	[dreg:$0x1] =	wrdreg $0xFFFFFFFF  }
0xae: {  	[dreg:$0x0] =	wrdreg $0x60  }
0xaf: {  	[dreg:$0x2] =	wrdreg s2  }
0xb0: {  	[dreg:$0x3] =	wrdreg s24  }
0xb1: {  	[dreg:$0x4] =	wrdreg s18  }
0xb2: {  	[dreg:$0x5] =	wrdreg $0xC000  }
0xb3: {  	[dreg:$0x6] =	wrdreg $0x100280  }
0xb4: {  	[dreg:$0x7] =	wrdreg $0x9  }
0xb5: {  	_ =	task.clear_ibuf [dreg:s8], $0x8FFFF;
	_ =	strace $0x90000046  }
0xb6: {  	s29 =	simm.s32 $0x9;
	_ =	strace $0x80000048  }
0xb7: {  	_ =	swait.ge [sflag:s29], $0x1  }
0xb8: {  	[sflag:s29] =	ssyncadd.s32 $0xFFFFFFFF  }
0xb9: {  	_ =	strace $0x90000048  }
0xba: {  	_ =	sfence  }
0xbb: {  	s30 =	sld [smem:$0x0];
	_ =	sdelay $0x2  }
0xbc: {  	s31 =	sshll.u32 s1, $0xD;
	s1 =	sshrl.u32 s1, $0x2  }
0xbd: {  	s3 =	sand.u32 $0x4000, s31;
	s1 =	sadd.s32 s1, s30  }
0xbe: {  	s0 =	sor.u32 s3, s0;
	s1 =	sshll.u32 s1, $0x11  }
0xbf: {  	s0 =	sor.u32 s1, s0  }
0xc0: {  	s0 =	sadd.s32 $0x8F2B, s0  }
0xc1: {  	[sflag:s0] =	ssyncadd.remote.s32 $0x1  }
0xc2: {  	_ =	sfence.sel $0xFFFF  }
0xc3: {  	[dreg:$0x0] =	wrdreg $0xFFFFFFFF;
	(pc) =	sbr.abs _section_cstart, $3  }
0xc4: {  	[dreg:$0x1] =	wrdreg $0xFFFFFFFF  }
0xc5: {  	_ =	task.clear_ibuf [dreg:s8], $0x2FFFF;
	_ =	strace $0x9FFFFFFF  }
0xc6: {  	(tm) =	ssettm $0x7FFFFFFF  }
0xc7: {  	_ =	shalt  }
tec
execute0_lowered:
.L_overlay_start_1:
0x0: {  	(tag) =	ssettag $0x1  }
0x1: {  	s4 =	rddreg [dreg:$0x0]  }
0x2: {  	s5 =	rddreg [dreg:$0x1]  }
0x3: {  	s6 =	rddreg [dreg:$0x2]  }
0x4: {  	s3 =	rddreg [dreg:$0x3]  }
0x5: {  	s1 =	rddreg [dreg:$0x4]  }
0x6: {  	s23 =	rddreg [dreg:$0x5];
	s0 =	srdreg.scid  }
0x7: {  	s2 =	simm.s32 $0x0;
	s24 =	stileid.u32;
	s0 =	sand.u32 $0x1, s0  }
0x8: {  	[smem:$0x7FF] =	sst s2;
	s7 =	sshll.u32 s24, $0x7;
	s18 =	smul.u32 $0x1E8500, s0  }
0x9: {  	s9 =	sshll.u32 s24, $0xA;
	s8 =	smul.u32 $0xF42800, s0;
	s5 =	sadd.s32 s7, s5  }
0xa: {  	_ =	strace $0x80000047;
	s5 =	sadd.s32 $0x600, s5;
	s16 =	sadd.s32 s4, s18  }
0xb: {  	s19 =	sshll.u32 s0, $0xF;
	[dreg:$0x6] =	wrdreg s5;
	s20 =	sadd.s32 $0x10, s16  }
0xc: {  	s17 =	sshrl.u32 s8, $0x3;
	s26 =	sadd.s32 $0x20, s16;
	[dreg:$0x8] =	wrdreg s20  }
0xd: {  	s5 =	sadd.s32 s4, s17;
	s31 =	sadd.s32 $0x30, s16;
	[dreg:$0xb] =	wrdreg s26  }
0xe: {  	s4 =	sor.u32 s9, s19;
	s9 =	sadd.s32 $0x40, s16;
	[dreg:$0xf] =	wrdreg s31  }
0xf: {  	p6 =	por $0x0, $0x0;
	s13 =	sadd.s32 $0x50, s16;
	[dreg:$0x13] =	wrdreg s9  }
0x10: {  	p2 =	por $0x0, $0x0;
	s18 =	sadd.s32 $0x60, s16;
	[dreg:$0x17] =	wrdreg s13  }
0x11: {  	p1 =	seq.s32 s24, $0x0;
	s7 =	sadd.s32 $0xF4280, s5;
	[dreg:$0x1b] =	wrdreg s18  }
0x12: {  	s0 =	ssub.s32 $0x2, s0;
	s21 =	sadd.s32 $0xF4290, s5;
	[dreg:$0x7] =	wrdreg s7  }
0x13: {  	p0 =	sne.s32 @!p1 s24, $0x1;
	s29 =	sadd.s32 $0xF42A0, s5;
	[dreg:$0x9] =	wrdreg s21  }
0x14: {  	p4 =	por p0, p1;
	s11 =	sadd.s32 $0xF42C0, s5;
	[dreg:$0xd] =	wrdreg s29  }
0x15: {  	p5 =	por !p0, p1;
	s15 =	sadd.s32 $0xF42D0, s5;
	[dreg:$0x15] =	wrdreg s11  }
0x16: {  	s25 =	sadd.s32 s6, s4;
	s20 =	sadd.s32 $0xF42E0, s5;
	[dreg:$0x19] =	wrdreg s15  }
0x17: {  	p0 =	sne.s32 s24, $0x0;
	s22 =	sadd.s32 $0x10, s25;
	[dreg:$0x1d] =	wrdreg s20  }
0x18: {  	s26 =	sshrl.u32 s0, $0x1;
	s28 =	sadd.s32 $0x4010, s25;
	[dreg:$0xa] =	wrdreg s22  }
0x19: {  	s4 =	simm.s32 $0x4;
	s30 =	sadd.s32 $0x20, s25;
	[dreg:$0xc] =	wrdreg s28  }
0x1a: {  	s9 =	simm.s32 $0x2;
	s6 =	sadd.s32 $0x4020, s25;
	[dreg:$0xe] =	wrdreg s30  }
0x1b: {  	s7 =	sadd.s32 $0xF42B0, s5;
	s8 =	sadd.s32 $0x30, s25;
	[dreg:$0x10] =	wrdreg s6  }
0x1c: {  	s10 =	sadd.s32 $0x4030, s25;
	s12 =	sadd.s32 $0x40, s25;
	[dreg:$0x11] =	wrdreg s7  }
0x1d: {  	s14 =	sadd.s32 $0x4040, s25;
	s17 =	sadd.s32 $0x50, s25;
	[dreg:$0x12] =	wrdreg s8  }
0x1e: {  	s19 =	sadd.s32 $0x4050, s25;
	s21 =	sadd.s32 $0x60, s25;
	[dreg:$0x14] =	wrdreg s10  }
0x1f: {  	s0 =	ssub.s32 s0, s26;
	s29 =	sadd.s32 $0xF42F0, s5;
	[dreg:$0x16] =	wrdreg s12  }
0x20: {  	s15 =	sadd.s32 $0x4000, s25;
	s31 =	sadd.s32 $0x4070, s25;
	[dreg:$0x18] =	wrdreg s14  }
0x21: {  	s20 =	simm.s32 $0x5;
	[dreg:$0x1a] =	wrdreg s17;
	s0 =	smax.u32 s0, $0x1  }
0x22: {  	s5 =	simm.s32 $0x3;
	[dreg:$0x1c] =	wrdreg s19;
	s26 =	sadd.s32 $0xFFFFFFFF, s0  }
0x23: {  	s11 =	sshrl.u32 @!p0 s3, $0x3;
	[dreg:$0x1e] =	wrdreg s21;
	p3 =	sne.s32 s26, $0x0  }
.Ltmp0:
0x24: {  	s22 =	sadd.s32 $0x70, s16;
	[smem:$0x7FB] =	sst s29;
	(pc) =	sbr.rel @!p3 .LBB2_5-.Ltmp0, $4  }
0x25: {  	s28 =	sadd.s32 $0x4060, s25;
	s30 =	sadd.s32 $0x70, s25;
	[smem:$0x7FD] =	sst s31  }
0x26: {  	s6 =	simm.s32 $0x400;
	s10 =	simm.s32 $0x1;
	[dreg:$0x1f] =	wrdreg s22  }
0x27: {  	s7 =	simm.s32 $0x80;
	s8 =	simm.s32 $0x800;
	[smem:$0x7FA] =	sst s28  }
0x28: {  	s17 =	sshrl.u32 @p1 s3, $0x3;
	s19 =	sshrl.u32 @!p4 s1, $0x3;
	[smem:$0x7FC] =	sst s30  }
0x29: {  	s0 =	rddreg [dreg:$0x6]  }
0x2a: {  	[tilespmem:s2], [sflag:$0x5] =	stream.linear.gather [hbm4b:s0+s2], $0x400, $0x38;
	[tilespmem:$0x1F450] =	vst v63  }
0x2b: {  	_ =	swait.ge [sflag:s20], $0x400  }
0x2c: {  	s12 =	simm.s32 @p1 $0x80;
	s21 =	simm.s32 @p1 $0x1;
	[sflag:s20] =	ssyncset.done $0x0  }
0x2d: {  	s13 =	simm.s32 @p1 $0x1C01;
	s0 =	simm.s32 @p1 $0x10;
	[sflag:s20] =	ssyncadd.s32 $0xFFFFFC00  }
0x2e: {  	[spmem:s17@s0], [sflag:s13] =	dma.strided @p1 [hbm:s16@s12], $0x1E850, s21, $0x10   }
0x2f: {  	s14 =	simm.s32 @!p4 $0x1;
	_ =	swait.ge @p1 [sflag:s21], $0x1E850  }
0x30: {  	s18 =	simm.s32 @!p4 $0x10;
	s12 =	simm.s32 @!p4 $0x80;
	[sflag:s21] =	ssyncset.done @p1 $0x0  }
0x31: {  	s13 =	simm.s32 @!p4 $0x1C42;
	s0 =	rddreg [dreg:$0x7];
	[sflag:s21] =	ssyncadd.s32 @p1 $0xFFFE17B0  }
0x32: {  	[spmem:s19@s18], [sflag:s13] =	dma.strided @!p4 [hbm:s0@s12], $0x1E850, s14, $0x10   }
0x33: {  	s28 =	simm.s32 @!p0 $0x1C01;
	[bflag:$0x0] =	sbarrier.arrive $0xFFFF  }
0x34: {  	[tilespmem:s6], [sflag:$0x1] =	stream.indirect.gather [spmem:s3], $0x1, s2, s6, $0xb8;
	[tilespmem:$0x1F450] =	vst v63  }
0x35: {  	p2 =	por @!p4 $0x1, $0x1;
	p3 =	por p5, p5;
	_ =	swait.ge [sflag:s10], $0x400  }
0x36: {  	p5 =	por @p1 $0x0, $0x0;
	s29 =	simm.s32 @!p0 $0x80;
	[sflag:s10] =	ssyncset.done $0x0  }
0x37: {  	s30 =	simm.s32 @!p0 $0x10;
	s31 =	simm.s32 @!p0 $0x1;
	[sflag:s10] =	ssyncadd.s32 $0xFFFFFC00  }
0x38: {  	[hbm4b:s25+s7] =	stream.strided.scatter [tilespmem:s6], [sflag:$0x3], $0x400, s6, s7, $0x38;
	[tilespmem:$0x1F450] =	vst v63  }
0x39: {  	p2 =	por @!p3 p6, p6;
	s12 =	simm.s32 @!p3 $0x0;
	[bflag:$0x0] =	sbarrier.arrive $0xFFFF  }
0x3a: {  	p5 =	por @!p1 p2, p2;
	s12 =	simm.s32 @p3 $0x1;
	s0 =	rddreg [dreg:$0x8]  }
0x3b: {  	s13 =	simm.s32 @!p5 $0x0;
	s14 =	simm.s32 @!p5 $0x800;
	[smem:$0x7F5] =	sst s12  }
0x3c: {  	[spmem:s11@s30], [sflag:s28] =	dma.strided @!p0 [hbm:s0@s29], $0x1E850, s31, $0x10   }
0x3d: {  	s12 =	simm.s32 @!p5 $0x2;
	s0 =	simm.s32 @!p5 $0x400;
	[bflag:$0x0] =	sbarrier.arrive @!p5 $0xFFFF  }
0x3e: {  	[tilespmem:s14], [sflag:$0x2] =	stream.indirect.gather @!p5 [spmem:s1], $0x1, s13, s0, $0xb8;
	[tilespmem:$0x1F450] =	vst v63  }
0x3f: {  	_ =	swait.ge @!p5 [sflag:s12], $0x400  }
0x40: {  	p2 =	sne.s32 @!p5 s24, $0x0;
	[sflag:s12] =	ssyncset.done @!p5 $0x0  }
0x41: {  	p6 =	por p2, p5;
	s13 =	simm.s32 @!p5 $0x80;
	[sflag:s12] =	ssyncadd.s32 @!p5 $0xFFFFFC00  }
0x42: {  	[hbm4b:s15+s13] =	stream.strided.scatter @!p5 [tilespmem:s14], [sflag:$0x4], $0x400, s0, s13, $0x38;
	[tilespmem:$0x1F450] =	vst v63  }
0x43: {  	s23 =	simm.s32 @!p6 $0x1;
	[bflag:$0x0] =	sbarrier.arrive @!p5 $0xFFFF  }
0x44: {  	_ =	swait.ge @!p6 [sflag:s23], $0x1E850  }
0x45: {  	[sflag:s23] =	ssyncset.done @!p6 $0x0  }
0x46: {  	s24 =	simm.s32 @p5 $0x2;
	[sflag:s23] =	ssyncadd.s32 @!p6 $0xFFFE17B0  }
0x47: {  	_ =	swait.ge @p5 [sflag:s24], $0x1E850  }
0x48: {  	[sflag:s24] =	ssyncset.done @p5 $0x0  }
0x49: {  	s18 =	simm.s32 @p5 $0x400;
	[sflag:s24] =	ssyncadd.s32 @p5 $0xFFFE17B0  }
0x4a: {  	s13 =	simm.s32 @p5 $0x800;
	s14 =	simm.s32 @p5 $0x0;
	[bflag:$0x0] =	sbarrier.arrive @p5 $0xFFFF  }
0x4b: {  	[tilespmem:s13], [sflag:$0x2] =	stream.indirect.gather @p5 [spmem:s1], $0x1, s14, s18, $0xb8;
	[tilespmem:$0x1F450] =	vst v63  }
0x4c: {  	_ =	swait.ge @p5 [sflag:s24], $0x400  }
0x4d: {  	[sflag:s24] =	ssyncset.done @p5 $0x0  }
0x4e: {  	s22 =	simm.s32 @p5 $0x80;
	[sflag:s24] =	ssyncadd.s32 @p5 $0xFFFFFC00  }
0x4f: {  	[hbm4b:s15+s22] =	stream.strided.scatter @p5 [tilespmem:s13], [sflag:$0x4], $0x400, s18, s22, $0x38;
	[tilespmem:$0x1F450] =	vst v63  }
0x50: {  	[bflag:$0x0] =	sbarrier.arrive @p5 $0xFFFF  }
0x51: {  	s18 =	rddreg [dreg:$0x9]  }
0x52: {  	s0 =	stileid.u32;
	[smem:$0x7F6] =	sst s25  }
0x53: {  	s0 =	sshll.u32 @p5 s0, $0x6;
	[smem:$0x7F7] =	sst s16  }
0x54: {  	s0 =	sor.u32 @p5 $0x1C02, s0;
	s14 =	sshrl.u32 @p5 s1, $0x3;
	[smem:$0x7F8] =	sst s19  }
0x55: {  	s13 =	simm.s32 @p5 $0x10;
	[smem:$0x7F9] =	sst s17;
	s17 =	simm.s32 @p5 $0x1  }
0x56: {  	[spmem:s14@s13], [sflag:s0] =	dma.strided @p5 [hbm:s18@s22], $0x1E850, s17, $0x10   }
0x57: {  	[bflag:$0x0] =	sbarrier.arrive $0xFFFF  }
0x58: {  	_ =	swait.ge [sflag:s5], $0x400  }
0x59: {  	[sflag:s5] =	ssyncset.done $0x0  }
0x5a: {  	[sflag:s5] =	ssyncadd.s32 $0xFFFFFC00  }
0x5b: {  	[tilespmem:s6], [sflag:$0x1] =	stream.indirect.gather [spmem:s3], $0x1, s2, s6, $0xb8;
	[tilespmem:$0x1F450] =	vst v63  }
0x5c: {  	_ =	swait.ge [sflag:s10], $0x400  }
0x5d: {  	[sflag:s10] =	ssyncset.done $0x0  }
0x5e: {  	s19 =	rddreg [dreg:$0xa];
	[sflag:s10] =	ssyncadd.s32 $0xFFFFFC00  }
0x5f: {  	[hbm4b:s19+s7] =	stream.strided.scatter [tilespmem:s6], [sflag:$0x3], $0x400, s6, s7, $0x38;
	[tilespmem:$0x1F450] =	vst v63  }
0x60: {  	[bflag:$0x0] =	sbarrier.arrive $0xFFFF  }
0x61: {  	s18 =	rddreg [dreg:$0xb]  }
0x62: {  	[spmem:s11@s30], [sflag:s28] =	dma.strided @!p0 [hbm:s18@s29], $0x1E850, s31, $0x10   }
0x63: {  	_ =	swait.ge @p5 [sflag:s24], $0x1E850  }
0x64: {  	[sflag:s24] =	ssyncset.done @p5 $0x0  }
0x65: {  	[sflag:s24] =	ssyncadd.s32 @p5 $0xFFFE17B0  }
0x66: {  	[bflag:$0x0] =	sbarrier.arrive $0xFFFF  }
0x67: {  	_ =	swait.ge [sflag:s4], $0x400  }
0x68: {  	[sflag:s4] =	ssyncset.done $0x0  }
0x69: {  	[sflag:s4] =	ssyncadd.s32 $0xFFFFFC00  }
0x6a: {  	[tilespmem:s8], [sflag:$0x2] =	stream.indirect.gather [spmem:s1], $0x1, s2, s6, $0xb8;
	[tilespmem:$0x1F450] =	vst v63  }
0x6b: {  	_ =	swait.ge [sflag:s9], $0x400  }
0x6c: {  	[sflag:s9] =	ssyncset.done $0x0  }
0x6d: {  	s25 =	rddreg [dreg:$0xc];
	[sflag:s9] =	ssyncadd.s32 $0xFFFFFC00  }
0x6e: {  	[hbm4b:s25+s7] =	stream.strided.scatter [tilespmem:s8], [sflag:$0x4], $0x400, s6, s7, $0x38;
	[tilespmem:$0x1F450] =	vst v63  }
0x6f: {  	[bflag:$0x0] =	sbarrier.arrive $0xFFFF  }
0x70: {  	_ =	swait.ge @!p6 [sflag:s23], $0x1E850  }
0x71: {  	[sflag:s23] =	ssyncset.done @!p6 $0x0  }
0x72: {  	s18 =	rddreg [dreg:$0xd];
	[sflag:s23] =	ssyncadd.s32 @!p6 $0xFFFE17B0  }
0x73: {  	[spmem:s14@s13], [sflag:s0] =	dma.strided @p5 [hbm:s18@s22], $0x1E850, s17, $0x10   }
0x74: {  	[bflag:$0x0] =	sbarrier.arrive $0xFFFF  }
0x75: {  	_ =	swait.ge [sflag:s5], $0x400  }
0x76: {  	[sflag:s5] =	ssyncset.done $0x0  }
0x77: {  	[sflag:s5] =	ssyncadd.s32 $0xFFFFFC00  }
0x78: {  	[tilespmem:s6], [sflag:$0x1] =	stream.indirect.gather [spmem:s3], $0x1, s2, s6, $0xb8;
	[tilespmem:$0x1F450] =	vst v63  }
0x79: {  	_ =	swait.ge [sflag:s10], $0x400  }
0x7a: {  	[sflag:s10] =	ssyncset.done $0x0  }
0x7b: {  	s12 =	rddreg [dreg:$0xe];
	[sflag:s10] =	ssyncadd.s32 $0xFFFFFC00  }
0x7c: {  	[hbm4b:s12+s7] =	stream.strided.scatter [tilespmem:s6], [sflag:$0x3], $0x400, s6, s7, $0x38;
	[tilespmem:$0x1F450] =	vst v63  }
0x7d: {  	[bflag:$0x0] =	sbarrier.arrive $0xFFFF  }
0x7e: {  	s18 =	rddreg [dreg:$0xf]  }
0x7f: {  	[spmem:s11@s30], [sflag:s28] =	dma.strided @!p0 [hbm:s18@s29], $0x1E850, s31, $0x10   }
0x80: {  	_ =	swait.ge @p5 [sflag:s24], $0x1E850  }
0x81: {  	[sflag:s24] =	ssyncset.done @p5 $0x0  }
0x82: {  	[sflag:s24] =	ssyncadd.s32 @p5 $0xFFFE17B0  }
0x83: {  	[bflag:$0x0] =	sbarrier.arrive $0xFFFF  }
0x84: {  	_ =	swait.ge [sflag:s4], $0x400  }
0x85: {  	[sflag:s4] =	ssyncset.done $0x0  }
0x86: {  	[sflag:s4] =	ssyncadd.s32 $0xFFFFFC00  }
0x87: {  	[tilespmem:s8], [sflag:$0x2] =	stream.indirect.gather [spmem:s1], $0x1, s2, s6, $0xb8;
	[tilespmem:$0x1F450] =	vst v63  }
0x88: {  	_ =	swait.ge [sflag:s9], $0x400  }
0x89: {  	[sflag:s9] =	ssyncset.done $0x0  }
0x8a: {  	s16 =	rddreg [dreg:$0x10];
	[sflag:s9] =	ssyncadd.s32 $0xFFFFFC00  }
0x8b: {  	[hbm4b:s16+s7] =	stream.strided.scatter [tilespmem:s8], [sflag:$0x4], $0x400, s6, s7, $0x38;
	[tilespmem:$0x1F450] =	vst v63  }
0x8c: {  	[bflag:$0x0] =	sbarrier.arrive $0xFFFF  }
0x8d: {  	_ =	swait.ge @!p6 [sflag:s23], $0x1E850  }
0x8e: {  	[sflag:s23] =	ssyncset.done @!p6 $0x0  }
0x8f: {  	s18 =	rddreg [dreg:$0x11];
	[sflag:s23] =	ssyncadd.s32 @!p6 $0xFFFE17B0  }
0x90: {  	[spmem:s14@s13], [sflag:s0] =	dma.strided @p5 [hbm:s18@s22], $0x1E850, s17, $0x10   }
0x91: {  	[bflag:$0x0] =	sbarrier.arrive $0xFFFF  }
0x92: {  	_ =	swait.ge [sflag:s5], $0x400  }
0x93: {  	[sflag:s5] =	ssyncset.done $0x0  }
0x94: {  	[sflag:s5] =	ssyncadd.s32 $0xFFFFFC00  }
0x95: {  	[tilespmem:s6], [sflag:$0x1] =	stream.indirect.gather [spmem:s3], $0x1, s2, s6, $0xb8;
	[tilespmem:$0x1F450] =	vst v63  }
0x96: {  	_ =	swait.ge [sflag:s10], $0x400  }
0x97: {  	[sflag:s10] =	ssyncset.done $0x0  }
0x98: {  	s19 =	rddreg [dreg:$0x12];
	[sflag:s10] =	ssyncadd.s32 $0xFFFFFC00  }
0x99: {  	[hbm4b:s19+s7] =	stream.strided.scatter [tilespmem:s6], [sflag:$0x3], $0x400, s6, s7, $0x38;
	[tilespmem:$0x1F450] =	vst v63  }
0x9a: {  	[bflag:$0x0] =	sbarrier.arrive $0xFFFF  }
0x9b: {  	s18 =	rddreg [dreg:$0x13]  }
0x9c: {  	[spmem:s11@s30], [sflag:s28] =	dma.strided @!p0 [hbm:s18@s29], $0x1E850, s31, $0x10   }
0x9d: {  	_ =	swait.ge @p5 [sflag:s24], $0x1E850  }
0x9e: {  	[sflag:s24] =	ssyncset.done @p5 $0x0  }
0x9f: {  	[sflag:s24] =	ssyncadd.s32 @p5 $0xFFFE17B0  }
0xa0: {  	[bflag:$0x0] =	sbarrier.arrive $0xFFFF  }
0xa1: {  	_ =	swait.ge [sflag:s4], $0x400  }
0xa2: {  	[sflag:s4] =	ssyncset.done $0x0  }
0xa3: {  	[sflag:s4] =	ssyncadd.s32 $0xFFFFFC00  }
0xa4: {  	[tilespmem:s8], [sflag:$0x2] =	stream.indirect.gather [spmem:s1], $0x1, s2, s6, $0xb8;
	[tilespmem:$0x1F450] =	vst v63  }
0xa5: {  	_ =	swait.ge [sflag:s9], $0x400  }
0xa6: {  	[sflag:s9] =	ssyncset.done $0x0  }
0xa7: {  	s25 =	rddreg [dreg:$0x14];
	[sflag:s9] =	ssyncadd.s32 $0xFFFFFC00  }
0xa8: {  	[hbm4b:s25+s7] =	stream.strided.scatter [tilespmem:s8], [sflag:$0x4], $0x400, s6, s7, $0x38;
	[tilespmem:$0x1F450] =	vst v63  }
0xa9: {  	[bflag:$0x0] =	sbarrier.arrive $0xFFFF  }
0xaa: {  	_ =	swait.ge @!p6 [sflag:s23], $0x1E850  }
0xab: {  	[sflag:s23] =	ssyncset.done @!p6 $0x0  }
0xac: {  	s18 =	rddreg [dreg:$0x15];
	[sflag:s23] =	ssyncadd.s32 @!p6 $0xFFFE17B0  }
0xad: {  	[spmem:s14@s13], [sflag:s0] =	dma.strided @p5 [hbm:s18@s22], $0x1E850, s17, $0x10   }
0xae: {  	[bflag:$0x0] =	sbarrier.arrive $0xFFFF  }
0xaf: {  	_ =	swait.ge [sflag:s5], $0x400  }
0xb0: {  	[sflag:s5] =	ssyncset.done $0x0  }
0xb1: {  	[sflag:s5] =	ssyncadd.s32 $0xFFFFFC00  }
0xb2: {  	[tilespmem:s6], [sflag:$0x1] =	stream.indirect.gather [spmem:s3], $0x1, s2, s6, $0xb8;
	[tilespmem:$0x1F450] =	vst v63  }
0xb3: {  	_ =	swait.ge [sflag:s10], $0x400  }
0xb4: {  	[sflag:s10] =	ssyncset.done $0x0  }
0xb5: {  	s12 =	rddreg [dreg:$0x16];
	[sflag:s10] =	ssyncadd.s32 $0xFFFFFC00  }
0xb6: {  	[hbm4b:s12+s7] =	stream.strided.scatter [tilespmem:s6], [sflag:$0x3], $0x400, s6, s7, $0x38;
	[tilespmem:$0x1F450] =	vst v63  }
0xb7: {  	[bflag:$0x0] =	sbarrier.arrive $0xFFFF  }
0xb8: {  	s18 =	rddreg [dreg:$0x17]  }
0xb9: {  	[spmem:s11@s30], [sflag:s28] =	dma.strided @!p0 [hbm:s18@s29], $0x1E850, s31, $0x10   }
0xba: {  	_ =	swait.ge @p5 [sflag:s24], $0x1E850  }
0xbb: {  	[sflag:s24] =	ssyncset.done @p5 $0x0  }
0xbc: {  	[sflag:s24] =	ssyncadd.s32 @p5 $0xFFFE17B0  }
0xbd: {  	[bflag:$0x0] =	sbarrier.arrive $0xFFFF  }
0xbe: {  	_ =	swait.ge [sflag:s4], $0x400  }
0xbf: {  	[sflag:s4] =	ssyncset.done $0x0  }
0xc0: {  	[sflag:s4] =	ssyncadd.s32 $0xFFFFFC00  }
0xc1: {  	[tilespmem:s8], [sflag:$0x2] =	stream.indirect.gather [spmem:s1], $0x1, s2, s6, $0xb8;
	[tilespmem:$0x1F450] =	vst v63  }
0xc2: {  	_ =	swait.ge [sflag:s9], $0x400  }
0xc3: {  	[sflag:s9] =	ssyncset.done $0x0  }
0xc4: {  	s16 =	rddreg [dreg:$0x18];
	[sflag:s9] =	ssyncadd.s32 $0xFFFFFC00  }
0xc5: {  	[hbm4b:s16+s7] =	stream.strided.scatter [tilespmem:s8], [sflag:$0x4], $0x400, s6, s7, $0x38;
	[tilespmem:$0x1F450] =	vst v63  }
0xc6: {  	[bflag:$0x0] =	sbarrier.arrive $0xFFFF  }
0xc7: {  	_ =	swait.ge @!p6 [sflag:s23], $0x1E850  }
0xc8: {  	[sflag:s23] =	ssyncset.done @!p6 $0x0  }
0xc9: {  	s18 =	rddreg [dreg:$0x19];
	[sflag:s23] =	ssyncadd.s32 @!p6 $0xFFFE17B0  }
0xca: {  	[spmem:s14@s13], [sflag:s0] =	dma.strided @p5 [hbm:s18@s22], $0x1E850, s17, $0x10   }
0xcb: {  	[bflag:$0x0] =	sbarrier.arrive $0xFFFF  }
0xcc: {  	_ =	swait.ge [sflag:s5], $0x400  }
0xcd: {  	[sflag:s5] =	ssyncset.done $0x0  }
0xce: {  	[sflag:s5] =	ssyncadd.s32 $0xFFFFFC00  }
0xcf: {  	[tilespmem:s6], [sflag:$0x1] =	stream.indirect.gather [spmem:s3], $0x1, s2, s6, $0xb8;
	[tilespmem:$0x1F450] =	vst v63  }
0xd0: {  	_ =	swait.ge [sflag:s10], $0x400  }
0xd1: {  	[sflag:s10] =	ssyncset.done $0x0  }
0xd2: {  	s19 =	rddreg [dreg:$0x1a];
	[sflag:s10] =	ssyncadd.s32 $0xFFFFFC00  }
0xd3: {  	[hbm4b:s19+s7] =	stream.strided.scatter [tilespmem:s6], [sflag:$0x3], $0x400, s6, s7, $0x38;
	[tilespmem:$0x1F450] =	vst v63  }
0xd4: {  	[bflag:$0x0] =	sbarrier.arrive $0xFFFF  }
0xd5: {  	s18 =	rddreg [dreg:$0x1b]  }
0xd6: {  	[spmem:s11@s30], [sflag:s28] =	dma.strided @!p0 [hbm:s18@s29], $0x1E850, s31, $0x10   }
0xd7: {  	_ =	swait.ge @p5 [sflag:s24], $0x1E850  }
0xd8: {  	[sflag:s24] =	ssyncset.done @p5 $0x0  }
0xd9: {  	[sflag:s24] =	ssyncadd.s32 @p5 $0xFFFE17B0  }
0xda: {  	[bflag:$0x0] =	sbarrier.arrive $0xFFFF  }
0xdb: {  	_ =	swait.ge [sflag:s4], $0x400  }
0xdc: {  	[sflag:s4] =	ssyncset.done $0x0  }
0xdd: {  	[sflag:s4] =	ssyncadd.s32 $0xFFFFFC00  }
0xde: {  	[tilespmem:s8], [sflag:$0x2] =	stream.indirect.gather [spmem:s1], $0x1, s2, s6, $0xb8;
	[tilespmem:$0x1F450] =	vst v63  }
0xdf: {  	_ =	swait.ge [sflag:s9], $0x400  }
0xe0: {  	[sflag:s9] =	ssyncset.done $0x0  }
0xe1: {  	s25 =	rddreg [dreg:$0x1c];
	[sflag:s9] =	ssyncadd.s32 $0xFFFFFC00  }
0xe2: {  	[hbm4b:s25+s7] =	stream.strided.scatter [tilespmem:s8], [sflag:$0x4], $0x400, s6, s7, $0x38;
	[tilespmem:$0x1F450] =	vst v63  }
0xe3: {  	[bflag:$0x0] =	sbarrier.arrive $0xFFFF  }
0xe4: {  	_ =	swait.ge @!p6 [sflag:s23], $0x1E850  }
0xe5: {  	[sflag:s23] =	ssyncset.done @!p6 $0x0  }
0xe6: {  	s18 =	rddreg [dreg:$0x1d];
	[sflag:s23] =	ssyncadd.s32 @!p6 $0xFFFE17B0  }
0xe7: {  	[spmem:s14@s13], [sflag:s0] =	dma.strided @p5 [hbm:s18@s22], $0x1E850, s17, $0x10   }
0xe8: {  	[bflag:$0x0] =	sbarrier.arrive $0xFFFF  }
0xe9: {  	_ =	swait.ge [sflag:s5], $0x400  }
0xea: {  	[sflag:s5] =	ssyncset.done $0x0  }
0xeb: {  	[sflag:s5] =	ssyncadd.s32 $0xFFFFFC00  }
0xec: {  	[tilespmem:s6], [sflag:$0x1] =	stream.indirect.gather [spmem:s3], $0x1, s2, s6, $0xb8;
	[tilespmem:$0x1F450] =	vst v63  }
0xed: {  	_ =	swait.ge [sflag:s10], $0x400  }
0xee: {  	[sflag:s10] =	ssyncset.done $0x0  }
0xef: {  	s12 =	rddreg [dreg:$0x1e];
	[sflag:s10] =	ssyncadd.s32 $0xFFFFFC00  }
0xf0: {  	[hbm4b:s12+s7] =	stream.strided.scatter [tilespmem:s6], [sflag:$0x3], $0x400, s6, s7, $0x38;
	[tilespmem:$0x1F450] =	vst v63  }
0xf1: {  	[bflag:$0x0] =	sbarrier.arrive $0xFFFF  }
0xf2: {  	s18 =	rddreg [dreg:$0x1f]  }
0xf3: {  	[spmem:s11@s30], [sflag:s28] =	dma.strided @!p0 [hbm:s18@s29], $0x1E850, s31, $0x10   }
0xf4: {  	_ =	swait.ge @p5 [sflag:s24], $0x1E850  }
0xf5: {  	[sflag:s24] =	ssyncset.done @p5 $0x0  }
0xf6: {  	[sflag:s24] =	ssyncadd.s32 @p5 $0xFFFE17B0  }
0xf7: {  	[bflag:$0x0] =	sbarrier.arrive $0xFFFF  }
0xf8: {  	_ =	swait.ge [sflag:s4], $0x400  }
0xf9: {  	[sflag:s4] =	ssyncset.done $0x0  }
0xfa: {  	[sflag:s4] =	ssyncadd.s32 $0xFFFFFC00  }
0xfb: {  	[tilespmem:s8], [sflag:$0x2] =	stream.indirect.gather [spmem:s1], $0x1, s2, s6, $0xb8;
	[tilespmem:$0x1F450] =	vst v63  }
0xfc: {  	_ =	swait.ge [sflag:s9], $0x400  }
0xfd: {  	s16 =	sld [smem:$0x7FA]  }
0xfe: {  	[sflag:s9] =	ssyncset.done $0x0  }
0xff: {  	[sflag:s9] =	ssyncadd.s32 $0xFFFFFC00  }
0x100: {  	[hbm4b:s16+s7] =	stream.strided.scatter [tilespmem:s8], [sflag:$0x4], $0x400, s6, s7, $0x38;
	[tilespmem:$0x1F450] =	vst v63  }
0x101: {  	[bflag:$0x0] =	sbarrier.arrive $0xFFFF  }
0x102: {  	_ =	swait.ge @!p6 [sflag:s23], $0x1E850  }
0x103: {  	s18 =	sld [smem:$0x7FB]  }
0x104: {  	[sflag:s23] =	ssyncset.done @!p6 $0x0  }
0x105: {  	[sflag:s23] =	ssyncadd.s32 @!p6 $0xFFFE17B0  }
0x106: {  	[spmem:s14@s13], [sflag:s0] =	dma.strided @p5 [hbm:s18@s22], $0x1E850, s17, $0x10   }
0x107: {  	[bflag:$0x0] =	sbarrier.arrive $0xFFFF  }
0x108: {  	_ =	swait.ge [sflag:s5], $0x400  }
0x109: {  	[sflag:s5] =	ssyncset.done $0x0  }
0x10a: {  	[sflag:s5] =	ssyncadd.s32 $0xFFFFFC00  }
0x10b: {  	[tilespmem:s6], [sflag:$0x1] =	stream.indirect.gather [spmem:s3], $0x1, s2, s6, $0xb8;
	[tilespmem:$0x1F450] =	vst v63  }
0x10c: {  	_ =	swait.ge [sflag:s10], $0x400  }
0x10d: {  	s19 =	sld [smem:$0x7FC]  }
0x10e: {  	[sflag:s10] =	ssyncset.done $0x0  }
0x10f: {  	[sflag:s10] =	ssyncadd.s32 $0xFFFFFC00  }
0x110: {  	[hbm4b:s19+s7] =	stream.strided.scatter [tilespmem:s6], [sflag:$0x3], $0x400, s6, s7, $0x38;
	[tilespmem:$0x1F450] =	vst v63  }
0x111: {  	[bflag:$0x0] =	sbarrier.arrive $0xFFFF  }
0x112: {  	_ =	swait.ge @p5 [sflag:s24], $0x1E850  }
0x113: {  	[sflag:s24] =	ssyncset.done @p5 $0x0  }
0x114: {  	[sflag:s24] =	ssyncadd.s32 @p5 $0xFFFE17B0  }
0x115: {  	[bflag:$0x0] =	sbarrier.arrive $0xFFFF  }
0x116: {  	_ =	swait.ge [sflag:s4], $0x400  }
0x117: {  	[sflag:s4] =	ssyncset.done $0x0  }
0x118: {  	[sflag:s4] =	ssyncadd.s32 $0xFFFFFC00  }
0x119: {  	[tilespmem:s8], [sflag:$0x2] =	stream.indirect.gather [spmem:s1], $0x1, s2, s6, $0xb8;
	[tilespmem:$0x1F450] =	vst v63  }
0x11a: {  	_ =	swait.ge [sflag:s9], $0x400  }
0x11b: {  	s25 =	sld [smem:$0x7FD]  }
0x11c: {  	s18 =	sadd.s32 $0xFFFFFFFF, s26;
	[sflag:s9] =	ssyncset.done $0x0  }
0x11d: {  	p3 =	sne.s32 s18, $0x0;
	[sflag:s9] =	ssyncadd.s32 $0xFFFFFC00  }
0x11e: {  	[hbm4b:s25+s7] =	stream.strided.scatter [tilespmem:s8], [sflag:$0x4], $0x400, s6, s7, $0x38;
	[tilespmem:$0x1F450] =	vst v63  }
.Ltmp1:
0x11f: {  	_ = 	snop;
	(pc) =	sbr.rel @!p3 .LBB2_2-.Ltmp1, $4  }
0x120: {  	[bflag:$0x0] =	sbarrier.arrive $0xFFFF  }
0x121: {  	_ =	swait.ge [sflag:s5], $0x400  }
0x122: {  	[sflag:s5] =	ssyncset.done $0x0  }
0x123: {  	p2 =	por $0x1, $0x1;
	[sflag:s5] =	ssyncadd.s32 $0xFFFFFC00  }
.LBB2_3:
0x124: {  	_ =	swait.ge [sflag:s4], $0x400  }
0x125: {  	[sflag:s4] =	ssyncset.done $0x0  }
0x126: {  	s19 =	rddreg [dreg:$0x6];
	[sflag:s4] =	ssyncadd.s32 $0xFFFFFC00  }
0x127: {  	[tilespmem:s2], [sflag:$0x5] =	stream.linear.gather [hbm4b:s19+s2], $0x400, $0x38;
	[tilespmem:$0x1F450] =	vst v63  }
0x128: {  	_ =	swait.ge [sflag:s20], $0x400  }
0x129: {  	[sflag:s20] =	ssyncset.done $0x0;
	s12 =	sld [smem:$0x7F7]  }
0x12a: {  	[sflag:s20] =	ssyncadd.s32 $0xFFFFFC00;
	s20 =	sld [smem:$0x7F9];
	_ =	sdelay $0x1  }
0x12b: {  	s16 =	simm.s32 @p1 $0x80;
	s26 =	simm.s32 @p1 $0x1C01;
	s19 =	simm.s32 @p1 $0x10  }
0x12c: {  	[spmem:s20@s19], [sflag:s26] =	dma.strided @p1 [hbm:s12@s16], $0x1E850, s21, $0x10   }
0x12d: {  	_ =	swait.ge @p1 [sflag:s21], $0x1E850  }
0x12e: {  	s25 =	simm.s32 @!p4 $0x1;
	s12 =	sld [smem:$0x7F8]  }
0x12f: {  	s16 =	simm.s32 @!p4 $0x80;
	s26 =	simm.s32 @!p4 $0x1C42;
	[sflag:s21] =	ssyncset.done @p1 $0x0  }
0x130: {  	s20 =	simm.s32 @!p4 $0x10;
	s19 =	rddreg [dreg:$0x7];
	[sflag:s21] =	ssyncadd.s32 @p1 $0xFFFE17B0  }
0x131: {  	[spmem:s12@s20], [sflag:s26] =	dma.strided @!p4 [hbm:s19@s16], $0x1E850, s25, $0x10   }
0x132: {  	[bflag:$0x0] =	sbarrier.arrive $0xFFFF  }
0x133: {  	[tilespmem:s6], [sflag:$0x1] =	stream.indirect.gather [spmem:s3], $0x1, s2, s6, $0xb8;
	[tilespmem:$0x1F450] =	vst v63  }
0x134: {  	_ =	swait.ge [sflag:s10], $0x400  }
0x135: {  	s19 =	sld [smem:$0x7F6]  }
0x136: {  	[sflag:s10] =	ssyncset.done $0x0  }
0x137: {  	[sflag:s10] =	ssyncadd.s32 $0xFFFFFC00  }
0x138: {  	[hbm4b:s19+s7] =	stream.strided.scatter [tilespmem:s6], [sflag:$0x3], $0x400, s6, s7, $0x38;
	[tilespmem:$0x1F450] =	vst v63  }
0x139: {  	[bflag:$0x0] =	sbarrier.arrive $0xFFFF  }
0x13a: {  	s16 =	simm.s32 @!p5 $0x0;
	s25 =	simm.s32 @!p5 $0x800;
	s19 =	rddreg [dreg:$0x8]  }
0x13b: {  	[spmem:s11@s30], [sflag:s28] =	dma.strided @!p0 [hbm:s19@s29], $0x1E850, s31, $0x10   }
0x13c: {  	s12 =	simm.s32 @!p5 $0x2;
	s19 =	simm.s32 @!p5 $0x400;
	[bflag:$0x0] =	sbarrier.arrive @!p5 $0xFFFF  }
0x13d: {  	[tilespmem:s25], [sflag:$0x2] =	stream.indirect.gather @!p5 [spmem:s1], $0x1, s16, s19, $0xb8;
	[tilespmem:$0x1F450] =	vst v63  }
0x13e: {  	_ =	swait.ge @!p5 [sflag:s12], $0x400  }
0x13f: {  	[sflag:s12] =	ssyncset.done @!p5 $0x0  }
0x140: {  	s16 =	simm.s32 @!p5 $0x80;
	[sflag:s12] =	ssyncadd.s32 @!p5 $0xFFFFFC00  }
0x141: {  	[hbm4b:s15+s16] =	stream.strided.scatter @!p5 [tilespmem:s25], [sflag:$0x4], $0x400, s19, s16, $0x38;
	[tilespmem:$0x1F450] =	vst v63  }
0x142: {  	[bflag:$0x0] =	sbarrier.arrive @!p5 $0xFFFF  }
0x143: {  	_ =	swait.ge @!p6 [sflag:s23], $0x1E850  }
0x144: {  	[sflag:s23] =	ssyncset.done @!p6 $0x0  }
0x145: {  	[sflag:s23] =	ssyncadd.s32 @!p6 $0xFFFE17B0  }
0x146: {  	_ =	swait.ge @p5 [sflag:s24], $0x1E850  }
0x147: {  	[sflag:s24] =	ssyncset.done @p5 $0x0  }
0x148: {  	s16 =	simm.s32 @p5 $0x800;
	[sflag:s24] =	ssyncadd.s32 @p5 $0xFFFE17B0  }
0x149: {  	s19 =	simm.s32 @p5 $0x0;
	s25 =	simm.s32 @p5 $0x400;
	[bflag:$0x0] =	sbarrier.arrive @p5 $0xFFFF  }
0x14a: {  	[tilespmem:s16], [sflag:$0x2] =	stream.indirect.gather @p5 [spmem:s1], $0x1, s19, s25, $0xb8;
	[tilespmem:$0x1F450] =	vst v63  }
0x14b: {  	_ =	swait.ge @p5 [sflag:s24], $0x400  }
0x14c: {  	[sflag:s24] =	ssyncset.done @p5 $0x0  }
0x14d: {  	[sflag:s24] =	ssyncadd.s32 @p5 $0xFFFFFC00  }
0x14e: {  	[hbm4b:s15+s22] =	stream.strided.scatter @p5 [tilespmem:s16], [sflag:$0x4], $0x400, s25, s22, $0x38;
	[tilespmem:$0x1F450] =	vst v63  }
0x14f: {  	[bflag:$0x0] =	sbarrier.arrive @p5 $0xFFFF  }
0x150: {  	s19 =	rddreg [dreg:$0x9]  }
0x151: {  	[spmem:s14@s13], [sflag:s0] =	dma.strided @p5 [hbm:s19@s22], $0x1E850, s17, $0x10   }
0x152: {  	[bflag:$0x0] =	sbarrier.arrive $0xFFFF  }
0x153: {  	_ =	swait.ge [sflag:s5], $0x400  }
0x154: {  	[sflag:s5] =	ssyncset.done $0x0  }
0x155: {  	[sflag:s5] =	ssyncadd.s32 $0xFFFFFC00  }
0x156: {  	[tilespmem:s6], [sflag:$0x1] =	stream.indirect.gather [spmem:s3], $0x1, s2, s6, $0xb8;
	[tilespmem:$0x1F450] =	vst v63  }
0x157: {  	_ =	swait.ge [sflag:s10], $0x400  }
0x158: {  	[sflag:s10] =	ssyncset.done $0x0  }
0x159: {  	s25 =	rddreg [dreg:$0xa];
	[sflag:s10] =	ssyncadd.s32 $0xFFFFFC00  }
0x15a: {  	[hbm4b:s25+s7] =	stream.strided.scatter [tilespmem:s6], [sflag:$0x3], $0x400, s6, s7, $0x38;
	[tilespmem:$0x1F450] =	vst v63  }
0x15b: {  	[bflag:$0x0] =	sbarrier.arrive $0xFFFF  }
0x15c: {  	s19 =	rddreg [dreg:$0xb]  }
0x15d: {  	[spmem:s11@s30], [sflag:s28] =	dma.strided @!p0 [hbm:s19@s29], $0x1E850, s31, $0x10   }
0x15e: {  	_ =	swait.ge @p5 [sflag:s24], $0x1E850  }
0x15f: {  	[sflag:s24] =	ssyncset.done @p5 $0x0  }
0x160: {  	[sflag:s24] =	ssyncadd.s32 @p5 $0xFFFE17B0  }
0x161: {  	[bflag:$0x0] =	sbarrier.arrive $0xFFFF  }
0x162: {  	_ =	swait.ge [sflag:s4], $0x400  }
0x163: {  	[sflag:s4] =	ssyncset.done $0x0  }
0x164: {  	[sflag:s4] =	ssyncadd.s32 $0xFFFFFC00  }
0x165: {  	[tilespmem:s8], [sflag:$0x2] =	stream.indirect.gather [spmem:s1], $0x1, s2, s6, $0xb8;
	[tilespmem:$0x1F450] =	vst v63  }
0x166: {  	_ =	swait.ge [sflag:s9], $0x400  }
0x167: {  	[sflag:s9] =	ssyncset.done $0x0  }
0x168: {  	s26 =	rddreg [dreg:$0xc];
	[sflag:s9] =	ssyncadd.s32 $0xFFFFFC00  }
0x169: {  	[hbm4b:s26+s7] =	stream.strided.scatter [tilespmem:s8], [sflag:$0x4], $0x400, s6, s7, $0x38;
	[tilespmem:$0x1F450] =	vst v63  }
0x16a: {  	[bflag:$0x0] =	sbarrier.arrive $0xFFFF  }
0x16b: {  	_ =	swait.ge @!p6 [sflag:s23], $0x1E850  }
0x16c: {  	[sflag:s23] =	ssyncset.done @!p6 $0x0  }
0x16d: {  	s19 =	rddreg [dreg:$0xd];
	[sflag:s23] =	ssyncadd.s32 @!p6 $0xFFFE17B0  }
0x16e: {  	[spmem:s14@s13], [sflag:s0] =	dma.strided @p5 [hbm:s19@s22], $0x1E850, s17, $0x10   }
0x16f: {  	[bflag:$0x0] =	sbarrier.arrive $0xFFFF  }
0x170: {  	_ =	swait.ge [sflag:s5], $0x400  }
0x171: {  	[sflag:s5] =	ssyncset.done $0x0  }
0x172: {  	[sflag:s5] =	ssyncadd.s32 $0xFFFFFC00  }
0x173: {  	[tilespmem:s6], [sflag:$0x1] =	stream.indirect.gather [spmem:s3], $0x1, s2, s6, $0xb8;
	[tilespmem:$0x1F450] =	vst v63  }
0x174: {  	_ =	swait.ge [sflag:s10], $0x400  }
0x175: {  	[sflag:s10] =	ssyncset.done $0x0  }
0x176: {  	s12 =	rddreg [dreg:$0xe];
	[sflag:s10] =	ssyncadd.s32 $0xFFFFFC00  }
0x177: {  	[hbm4b:s12+s7] =	stream.strided.scatter [tilespmem:s6], [sflag:$0x3], $0x400, s6, s7, $0x38;
	[tilespmem:$0x1F450] =	vst v63  }
0x178: {  	[bflag:$0x0] =	sbarrier.arrive $0xFFFF  }
0x179: {  	s19 =	rddreg [dreg:$0xf]  }
0x17a: {  	[spmem:s11@s30], [sflag:s28] =	dma.strided @!p0 [hbm:s19@s29], $0x1E850, s31, $0x10   }
0x17b: {  	_ =	swait.ge @p5 [sflag:s24], $0x1E850  }
0x17c: {  	[sflag:s24] =	ssyncset.done @p5 $0x0  }
0x17d: {  	[sflag:s24] =	ssyncadd.s32 @p5 $0xFFFE17B0  }
0x17e: {  	[bflag:$0x0] =	sbarrier.arrive $0xFFFF  }
0x17f: {  	_ =	swait.ge [sflag:s4], $0x400  }
0x180: {  	[sflag:s4] =	ssyncset.done $0x0  }
0x181: {  	[sflag:s4] =	ssyncadd.s32 $0xFFFFFC00  }
0x182: {  	[tilespmem:s8], [sflag:$0x2] =	stream.indirect.gather [spmem:s1], $0x1, s2, s6, $0xb8;
	[tilespmem:$0x1F450] =	vst v63  }
0x183: {  	_ =	swait.ge [sflag:s9], $0x400  }
0x184: {  	[sflag:s9] =	ssyncset.done $0x0  }
0x185: {  	s16 =	rddreg [dreg:$0x10];
	[sflag:s9] =	ssyncadd.s32 $0xFFFFFC00  }
0x186: {  	[hbm4b:s16+s7] =	stream.strided.scatter [tilespmem:s8], [sflag:$0x4], $0x400, s6, s7, $0x38;
	[tilespmem:$0x1F450] =	vst v63  }
0x187: {  	[bflag:$0x0] =	sbarrier.arrive $0xFFFF  }
0x188: {  	_ =	swait.ge @!p6 [sflag:s23], $0x1E850  }
0x189: {  	[sflag:s23] =	ssyncset.done @!p6 $0x0  }
0x18a: {  	s19 =	rddreg [dreg:$0x11];
	[sflag:s23] =	ssyncadd.s32 @!p6 $0xFFFE17B0  }
0x18b: {  	[spmem:s14@s13], [sflag:s0] =	dma.strided @p5 [hbm:s19@s22], $0x1E850, s17, $0x10   }
0x18c: {  	[bflag:$0x0] =	sbarrier.arrive $0xFFFF  }
0x18d: {  	_ =	swait.ge [sflag:s5], $0x400  }
0x18e: {  	[sflag:s5] =	ssyncset.done $0x0  }
0x18f: {  	[sflag:s5] =	ssyncadd.s32 $0xFFFFFC00  }
0x190: {  	[tilespmem:s6], [sflag:$0x1] =	stream.indirect.gather [spmem:s3], $0x1, s2, s6, $0xb8;
	[tilespmem:$0x1F450] =	vst v63  }
0x191: {  	_ =	swait.ge [sflag:s10], $0x400  }
0x192: {  	[sflag:s10] =	ssyncset.done $0x0  }
0x193: {  	s25 =	rddreg [dreg:$0x12];
	[sflag:s10] =	ssyncadd.s32 $0xFFFFFC00  }
0x194: {  	[hbm4b:s25+s7] =	stream.strided.scatter [tilespmem:s6], [sflag:$0x3], $0x400, s6, s7, $0x38;
	[tilespmem:$0x1F450] =	vst v63  }
0x195: {  	[bflag:$0x0] =	sbarrier.arrive $0xFFFF  }
0x196: {  	s19 =	rddreg [dreg:$0x13]  }
0x197: {  	[spmem:s11@s30], [sflag:s28] =	dma.strided @!p0 [hbm:s19@s29], $0x1E850, s31, $0x10   }
0x198: {  	_ =	swait.ge @p5 [sflag:s24], $0x1E850  }
0x199: {  	[sflag:s24] =	ssyncset.done @p5 $0x0  }
0x19a: {  	[sflag:s24] =	ssyncadd.s32 @p5 $0xFFFE17B0  }
0x19b: {  	[bflag:$0x0] =	sbarrier.arrive $0xFFFF  }
0x19c: {  	_ =	swait.ge [sflag:s4], $0x400  }
0x19d: {  	[sflag:s4] =	ssyncset.done $0x0  }
0x19e: {  	[sflag:s4] =	ssyncadd.s32 $0xFFFFFC00  }
0x19f: {  	[tilespmem:s8], [sflag:$0x2] =	stream.indirect.gather [spmem:s1], $0x1, s2, s6, $0xb8;
	[tilespmem:$0x1F450] =	vst v63  }
0x1a0: {  	_ =	swait.ge [sflag:s9], $0x400  }
0x1a1: {  	[sflag:s9] =	ssyncset.done $0x0  }
0x1a2: {  	s26 =	rddreg [dreg:$0x14];
	[sflag:s9] =	ssyncadd.s32 $0xFFFFFC00  }
0x1a3: {  	[hbm4b:s26+s7] =	stream.strided.scatter [tilespmem:s8], [sflag:$0x4], $0x400, s6, s7, $0x38;
	[tilespmem:$0x1F450] =	vst v63  }
0x1a4: {  	[bflag:$0x0] =	sbarrier.arrive $0xFFFF  }
0x1a5: {  	_ =	swait.ge @!p6 [sflag:s23], $0x1E850  }
0x1a6: {  	[sflag:s23] =	ssyncset.done @!p6 $0x0  }
0x1a7: {  	s19 =	rddreg [dreg:$0x15];
	[sflag:s23] =	ssyncadd.s32 @!p6 $0xFFFE17B0  }
0x1a8: {  	[spmem:s14@s13], [sflag:s0] =	dma.strided @p5 [hbm:s19@s22], $0x1E850, s17, $0x10   }
0x1a9: {  	[bflag:$0x0] =	sbarrier.arrive $0xFFFF  }
0x1aa: {  	_ =	swait.ge [sflag:s5], $0x400  }
0x1ab: {  	[sflag:s5] =	ssyncset.done $0x0  }
0x1ac: {  	[sflag:s5] =	ssyncadd.s32 $0xFFFFFC00  }
0x1ad: {  	[tilespmem:s6], [sflag:$0x1] =	stream.indirect.gather [spmem:s3], $0x1, s2, s6, $0xb8;
	[tilespmem:$0x1F450] =	vst v63  }
0x1ae: {  	_ =	swait.ge [sflag:s10], $0x400  }
0x1af: {  	[sflag:s10] =	ssyncset.done $0x0  }
0x1b0: {  	s12 =	rddreg [dreg:$0x16];
	[sflag:s10] =	ssyncadd.s32 $0xFFFFFC00  }
0x1b1: {  	[hbm4b:s12+s7] =	stream.strided.scatter [tilespmem:s6], [sflag:$0x3], $0x400, s6, s7, $0x38;
	[tilespmem:$0x1F450] =	vst v63  }
0x1b2: {  	[bflag:$0x0] =	sbarrier.arrive $0xFFFF  }
0x1b3: {  	s19 =	rddreg [dreg:$0x17]  }
0x1b4: {  	[spmem:s11@s30], [sflag:s28] =	dma.strided @!p0 [hbm:s19@s29], $0x1E850, s31, $0x10   }
0x1b5: {  	_ =	swait.ge @p5 [sflag:s24], $0x1E850  }
0x1b6: {  	[sflag:s24] =	ssyncset.done @p5 $0x0  }
0x1b7: {  	[sflag:s24] =	ssyncadd.s32 @p5 $0xFFFE17B0  }
0x1b8: {  	[bflag:$0x0] =	sbarrier.arrive $0xFFFF  }
0x1b9: {  	_ =	swait.ge [sflag:s4], $0x400  }
0x1ba: {  	[sflag:s4] =	ssyncset.done $0x0  }
0x1bb: {  	[sflag:s4] =	ssyncadd.s32 $0xFFFFFC00  }
0x1bc: {  	[tilespmem:s8], [sflag:$0x2] =	stream.indirect.gather [spmem:s1], $0x1, s2, s6, $0xb8;
	[tilespmem:$0x1F450] =	vst v63  }
0x1bd: {  	_ =	swait.ge [sflag:s9], $0x400  }
0x1be: {  	[sflag:s9] =	ssyncset.done $0x0  }
0x1bf: {  	s16 =	rddreg [dreg:$0x18];
	[sflag:s9] =	ssyncadd.s32 $0xFFFFFC00  }
0x1c0: {  	[hbm4b:s16+s7] =	stream.strided.scatter [tilespmem:s8], [sflag:$0x4], $0x400, s6, s7, $0x38;
	[tilespmem:$0x1F450] =	vst v63  }
0x1c1: {  	[bflag:$0x0] =	sbarrier.arrive $0xFFFF  }
0x1c2: {  	_ =	swait.ge @!p6 [sflag:s23], $0x1E850  }
0x1c3: {  	[sflag:s23] =	ssyncset.done @!p6 $0x0  }
0x1c4: {  	s19 =	rddreg [dreg:$0x19];
	[sflag:s23] =	ssyncadd.s32 @!p6 $0xFFFE17B0  }
0x1c5: {  	[spmem:s14@s13], [sflag:s0] =	dma.strided @p5 [hbm:s19@s22], $0x1E850, s17, $0x10   }
0x1c6: {  	[bflag:$0x0] =	sbarrier.arrive $0xFFFF  }
0x1c7: {  	_ =	swait.ge [sflag:s5], $0x400  }
0x1c8: {  	[sflag:s5] =	ssyncset.done $0x0  }
0x1c9: {  	[sflag:s5] =	ssyncadd.s32 $0xFFFFFC00  }
0x1ca: {  	[tilespmem:s6], [sflag:$0x1] =	stream.indirect.gather [spmem:s3], $0x1, s2, s6, $0xb8;
	[tilespmem:$0x1F450] =	vst v63  }
0x1cb: {  	_ =	swait.ge [sflag:s10], $0x400  }
0x1cc: {  	[sflag:s10] =	ssyncset.done $0x0  }
0x1cd: {  	s25 =	rddreg [dreg:$0x1a];
	[sflag:s10] =	ssyncadd.s32 $0xFFFFFC00  }
0x1ce: {  	[hbm4b:s25+s7] =	stream.strided.scatter [tilespmem:s6], [sflag:$0x3], $0x400, s6, s7, $0x38;
	[tilespmem:$0x1F450] =	vst v63  }
0x1cf: {  	[bflag:$0x0] =	sbarrier.arrive $0xFFFF  }
0x1d0: {  	s19 =	rddreg [dreg:$0x1b]  }
0x1d1: {  	[spmem:s11@s30], [sflag:s28] =	dma.strided @!p0 [hbm:s19@s29], $0x1E850, s31, $0x10   }
0x1d2: {  	_ =	swait.ge @p5 [sflag:s24], $0x1E850  }
0x1d3: {  	[sflag:s24] =	ssyncset.done @p5 $0x0  }
0x1d4: {  	[sflag:s24] =	ssyncadd.s32 @p5 $0xFFFE17B0  }
0x1d5: {  	[bflag:$0x0] =	sbarrier.arrive $0xFFFF  }
0x1d6: {  	_ =	swait.ge [sflag:s4], $0x400  }
0x1d7: {  	[sflag:s4] =	ssyncset.done $0x0  }
0x1d8: {  	[sflag:s4] =	ssyncadd.s32 $0xFFFFFC00  }
0x1d9: {  	[tilespmem:s8], [sflag:$0x2] =	stream.indirect.gather [spmem:s1], $0x1, s2, s6, $0xb8;
	[tilespmem:$0x1F450] =	vst v63  }
0x1da: {  	_ =	swait.ge [sflag:s9], $0x400  }
0x1db: {  	[sflag:s9] =	ssyncset.done $0x0  }
0x1dc: {  	s26 =	rddreg [dreg:$0x1c];
	[sflag:s9] =	ssyncadd.s32 $0xFFFFFC00  }
0x1dd: {  	[hbm4b:s26+s7] =	stream.strided.scatter [tilespmem:s8], [sflag:$0x4], $0x400, s6, s7, $0x38;
	[tilespmem:$0x1F450] =	vst v63  }
0x1de: {  	[bflag:$0x0] =	sbarrier.arrive $0xFFFF  }
0x1df: {  	_ =	swait.ge @!p6 [sflag:s23], $0x1E850  }
0x1e0: {  	[sflag:s23] =	ssyncset.done @!p6 $0x0  }
0x1e1: {  	s19 =	rddreg [dreg:$0x1d];
	[sflag:s23] =	ssyncadd.s32 @!p6 $0xFFFE17B0  }
0x1e2: {  	[spmem:s14@s13], [sflag:s0] =	dma.strided @p5 [hbm:s19@s22], $0x1E850, s17, $0x10   }
0x1e3: {  	[bflag:$0x0] =	sbarrier.arrive $0xFFFF  }
0x1e4: {  	_ =	swait.ge [sflag:s5], $0x400  }
0x1e5: {  	[sflag:s5] =	ssyncset.done $0x0  }
0x1e6: {  	[sflag:s5] =	ssyncadd.s32 $0xFFFFFC00  }
0x1e7: {  	[tilespmem:s6], [sflag:$0x1] =	stream.indirect.gather [spmem:s3], $0x1, s2, s6, $0xb8;
	[tilespmem:$0x1F450] =	vst v63  }
0x1e8: {  	_ =	swait.ge [sflag:s10], $0x400  }
0x1e9: {  	[sflag:s10] =	ssyncset.done $0x0  }
0x1ea: {  	s12 =	rddreg [dreg:$0x1e];
	[sflag:s10] =	ssyncadd.s32 $0xFFFFFC00  }
0x1eb: {  	[hbm4b:s12+s7] =	stream.strided.scatter [tilespmem:s6], [sflag:$0x3], $0x400, s6, s7, $0x38;
	[tilespmem:$0x1F450] =	vst v63  }
0x1ec: {  	[bflag:$0x0] =	sbarrier.arrive $0xFFFF  }
0x1ed: {  	s19 =	rddreg [dreg:$0x1f]  }
0x1ee: {  	[spmem:s11@s30], [sflag:s28] =	dma.strided @!p0 [hbm:s19@s29], $0x1E850, s31, $0x10   }
0x1ef: {  	_ =	swait.ge @p5 [sflag:s24], $0x1E850  }
0x1f0: {  	[sflag:s24] =	ssyncset.done @p5 $0x0  }
0x1f1: {  	[sflag:s24] =	ssyncadd.s32 @p5 $0xFFFE17B0  }
0x1f2: {  	[bflag:$0x0] =	sbarrier.arrive $0xFFFF  }
0x1f3: {  	_ =	swait.ge [sflag:s4], $0x400  }
0x1f4: {  	[sflag:s4] =	ssyncset.done $0x0  }
0x1f5: {  	[sflag:s4] =	ssyncadd.s32 $0xFFFFFC00  }
0x1f6: {  	[tilespmem:s8], [sflag:$0x2] =	stream.indirect.gather [spmem:s1], $0x1, s2, s6, $0xb8;
	[tilespmem:$0x1F450] =	vst v63  }
0x1f7: {  	_ =	swait.ge [sflag:s9], $0x400  }
0x1f8: {  	s16 =	sld [smem:$0x7FA]  }
0x1f9: {  	[sflag:s9] =	ssyncset.done $0x0  }
0x1fa: {  	[sflag:s9] =	ssyncadd.s32 $0xFFFFFC00  }
0x1fb: {  	[hbm4b:s16+s7] =	stream.strided.scatter [tilespmem:s8], [sflag:$0x4], $0x400, s6, s7, $0x38;
	[tilespmem:$0x1F450] =	vst v63  }
0x1fc: {  	[bflag:$0x0] =	sbarrier.arrive $0xFFFF  }
0x1fd: {  	_ =	swait.ge @!p6 [sflag:s23], $0x1E850  }
0x1fe: {  	s19 =	sld [smem:$0x7FB]  }
0x1ff: {  	[sflag:s23] =	ssyncset.done @!p6 $0x0  }
0x200: {  	[sflag:s23] =	ssyncadd.s32 @!p6 $0xFFFE17B0  }
0x201: {  	[spmem:s14@s13], [sflag:s0] =	dma.strided @p5 [hbm:s19@s22], $0x1E850, s17, $0x10   }
0x202: {  	[bflag:$0x0] =	sbarrier.arrive $0xFFFF  }
0x203: {  	_ =	swait.ge [sflag:s5], $0x400  }
0x204: {  	[sflag:s5] =	ssyncset.done $0x0  }
0x205: {  	[sflag:s5] =	ssyncadd.s32 $0xFFFFFC00  }
0x206: {  	[tilespmem:s6], [sflag:$0x1] =	stream.indirect.gather [spmem:s3], $0x1, s2, s6, $0xb8;
	[tilespmem:$0x1F450] =	vst v63  }
0x207: {  	_ =	swait.ge [sflag:s10], $0x400  }
0x208: {  	s25 =	sld [smem:$0x7FC]  }
0x209: {  	[sflag:s10] =	ssyncset.done $0x0  }
0x20a: {  	[sflag:s10] =	ssyncadd.s32 $0xFFFFFC00  }
0x20b: {  	[hbm4b:s25+s7] =	stream.strided.scatter [tilespmem:s6], [sflag:$0x3], $0x400, s6, s7, $0x38;
	[tilespmem:$0x1F450] =	vst v63  }
0x20c: {  	[bflag:$0x0] =	sbarrier.arrive $0xFFFF  }
0x20d: {  	_ =	swait.ge @p5 [sflag:s24], $0x1E850  }
0x20e: {  	[sflag:s24] =	ssyncset.done @p5 $0x0  }
0x20f: {  	[sflag:s24] =	ssyncadd.s32 @p5 $0xFFFE17B0  }
0x210: {  	[bflag:$0x0] =	sbarrier.arrive $0xFFFF  }
0x211: {  	_ =	swait.ge [sflag:s4], $0x400  }
0x212: {  	[sflag:s4] =	ssyncset.done $0x0  }
0x213: {  	[sflag:s4] =	ssyncadd.s32 $0xFFFFFC00  }
0x214: {  	[tilespmem:s8], [sflag:$0x2] =	stream.indirect.gather [spmem:s1], $0x1, s2, s6, $0xb8;
	[tilespmem:$0x1F450] =	vst v63  }
0x215: {  	_ =	swait.ge [sflag:s9], $0x400  }
0x216: {  	s26 =	sld [smem:$0x7FD]  }
0x217: {  	s18 =	sadd.s32 $0xFFFFFFFF, s18;
	[sflag:s9] =	ssyncset.done $0x0  }
0x218: {  	p3 =	sne.s32 s18, $0x0;
	[sflag:s9] =	ssyncadd.s32 $0xFFFFFC00  }
0x219: {  	[hbm4b:s26+s7] =	stream.strided.scatter [tilespmem:s8], [sflag:$0x4], $0x400, s6, s7, $0x38;
	[tilespmem:$0x1F450] =	vst v63  }
.Ltmp2:
0x21a: {  	_ = 	snop;
	(pc) =	sbr.rel @p3 .LBB2_3-.Ltmp2, $4  }
0x21b: {  	[bflag:$0x0] =	sbarrier.arrive $0xFFFF  }
0x21c: {  	_ =	swait.ge [sflag:s5], $0x400  }
0x21d: {  	[sflag:s5] =	ssyncset.done $0x0  }
0x21e: {  	s20 =	simm.s32 $0x5;
	[sflag:s5] =	ssyncadd.s32 $0xFFFFFC00  }
0x21f: {  	s23 =	rddreg [dreg:$0x5]  }
0x220: {  	s25 =	sld [smem:$0x7F6]  }
0x221: {  	s0 =	sld [smem:$0x7F5]  }
0x222: {  	s16 =	sld [smem:$0x7F7]  }
0x223: {  	s24 =	stileid.u32;
	s19 =	sld [smem:$0x7F8]  }
0x224: {  	p6 =	por $0x0, $0x0;
	s17 =	sld [smem:$0x7F9];
	p5 =	seq.s32 s0, $0x1  }
.LBB2_5:
0x225: {  	_ =	swait.ge @p2 [sflag:s4], $0x400  }
0x226: {  	[sflag:s4] =	ssyncset.done @p2 $0x0  }
0x227: {  	s0 =	rddreg [dreg:$0x6];
	[sflag:s4] =	ssyncadd.s32 @p2 $0xFFFFFC00  }
0x228: {  	[tilespmem:s2], [sflag:$0x5] =	stream.linear.gather [hbm4b:s0+s2], $0x400, $0x38;
	[tilespmem:$0x1F450] =	vst v63  }
0x229: {  	_ =	swait.ge [sflag:s20], $0x400  }
0x22a: {  	s12 =	simm.s32 @p1 $0x80;
	s13 =	simm.s32 @p1 $0x1;
	[sflag:s20] =	ssyncset.done $0x0  }
0x22b: {  	s14 =	simm.s32 @p1 $0x1C01;
	s0 =	simm.s32 @p1 $0x10;
	[sflag:s20] =	ssyncadd.s32 $0xFFFFFC00  }
0x22c: {  	[spmem:s17@s0], [sflag:s14] =	dma.strided @p1 [hbm:s16@s12], $0x1E850, s13, $0x10   }
0x22d: {  	s12 =	simm.s32 @!p4 $0x80;
	_ =	swait.ge @p1 [sflag:s13], $0x1E850  }
0x22e: {  	s14 =	simm.s32 @!p4 $0x1C42;
	s16 =	simm.s32 @!p4 $0x1;
	[sflag:s13] =	ssyncset.done @p1 $0x0  }
0x22f: {  	s0 =	rddreg [dreg:$0x7];
	[sflag:s13] =	ssyncadd.s32 @p1 $0xFFFE17B0;
	s13 =	simm.s32 @!p4 $0x10  }
0x230: {  	[spmem:s19@s13], [sflag:s14] =	dma.strided @!p4 [hbm:s0@s12], $0x1E850, s16, $0x10   }
0x231: {  	p3 =	por @!p4 $0x1, $0x1;
	[bflag:$0x0] =	sbarrier.arrive $0xFFFF  }
0x232: {  	[tilespmem:s6], [sflag:$0x1] =	stream.indirect.gather [spmem:s3], $0x1, s2, s6, $0xb8;
	[tilespmem:$0x1F450] =	vst v63  }
0x233: {  	p3 =	por @!p5 p6, p6;
	p2 =	por @p1 $0x0, $0x0;
	_ =	swait.ge [sflag:s10], $0x400  }
0x234: {  	p2 =	por @!p1 p3, p3;
	[sflag:s10] =	ssyncset.done $0x0  }
0x235: {  	s18 =	simm.s32 @!p2 $0x2;
	s17 =	simm.s32 @!p0 $0x1;
	[sflag:s10] =	ssyncadd.s32 $0xFFFFFC00  }
0x236: {  	[hbm4b:s25+s7] =	stream.strided.scatter [tilespmem:s6], [sflag:$0x3], $0x400, s6, s7, $0x38;
	[tilespmem:$0x1F450] =	vst v63  }
0x237: {  	s12 =	simm.s32 @!p0 $0x1C01;
	s13 =	simm.s32 @!p0 $0x80;
	[bflag:$0x0] =	sbarrier.arrive $0xFFFF  }
0x238: {  	s14 =	simm.s32 @!p0 $0x10;
	s16 =	simm.s32 @!p2 $0x0;
	s0 =	rddreg [dreg:$0x8]  }
0x239: {  	[spmem:s11@s14], [sflag:s12] =	dma.strided @!p0 [hbm:s0@s13], $0x1E850, s17, $0x10   }
0x23a: {  	s19 =	simm.s32 @!p2 $0x800;
	s0 =	simm.s32 @!p2 $0x400;
	[bflag:$0x0] =	sbarrier.arrive @!p2 $0xFFFF  }
0x23b: {  	[tilespmem:s19], [sflag:$0x2] =	stream.indirect.gather @!p2 [spmem:s1], $0x1, s16, s0, $0xb8;
	[tilespmem:$0x1F450] =	vst v63  }
0x23c: {  	_ =	swait.ge @!p2 [sflag:s18], $0x400  }
0x23d: {  	p1 =	sne.s32 @!p2 s24, $0x0;
	[sflag:s18] =	ssyncset.done @!p2 $0x0  }
0x23e: {  	p1 =	por p1, p2;
	s16 =	simm.s32 @!p2 $0x80;
	[sflag:s18] =	ssyncadd.s32 @!p2 $0xFFFFFC00  }
0x23f: {  	[hbm4b:s15+s16] =	stream.strided.scatter @!p2 [tilespmem:s19], [sflag:$0x4], $0x400, s0, s16, $0x38;
	[tilespmem:$0x1F450] =	vst v63  }
0x240: {  	s16 =	simm.s32 @!p1 $0x1;
	[bflag:$0x0] =	sbarrier.arrive @!p2 $0xFFFF  }
0x241: {  	_ =	swait.ge @!p1 [sflag:s16], $0x1E850  }
0x242: {  	[sflag:s16] =	ssyncset.done @!p1 $0x0  }
0x243: {  	s0 =	simm.s32 @p2 $0x2;
	[sflag:s16] =	ssyncadd.s32 @!p1 $0xFFFE17B0  }
0x244: {  	_ =	swait.ge @p2 [sflag:s0], $0x1E850  }
0x245: {  	[sflag:s0] =	ssyncset.done @p2 $0x0  }
0x246: {  	s20 =	simm.s32 @p2 $0x400;
	[sflag:s0] =	ssyncadd.s32 @p2 $0xFFFE17B0  }
0x247: {  	s18 =	simm.s32 @p2 $0x0;
	s19 =	simm.s32 @p2 $0x800;
	[bflag:$0x0] =	sbarrier.arrive @p2 $0xFFFF  }
0x248: {  	[tilespmem:s19], [sflag:$0x2] =	stream.indirect.gather @p2 [spmem:s1], $0x1, s18, s20, $0xb8;
	[tilespmem:$0x1F450] =	vst v63  }
0x249: {  	_ =	swait.ge @p2 [sflag:s0], $0x400  }
0x24a: {  	[sflag:s0] =	ssyncset.done @p2 $0x0  }
0x24b: {  	s21 =	simm.s32 @p2 $0x1;
	s18 =	simm.s32 @p2 $0x80;
	[sflag:s0] =	ssyncadd.s32 @p2 $0xFFFFFC00  }
0x24c: {  	[hbm4b:s15+s18] =	stream.strided.scatter @p2 [tilespmem:s19], [sflag:$0x4], $0x400, s20, s18, $0x38;
	[tilespmem:$0x1F450] =	vst v63  }
0x24d: {  	s19 =	sshll.u32 @p2 s24, $0x6;
	s15 =	simm.s32 @p2 $0x10;
	[bflag:$0x0] =	sbarrier.arrive @p2 $0xFFFF  }
0x24e: {  	s20 =	sshrl.u32 @p2 s1, $0x3;
	s19 =	sor.u32 @p2 $0x1C02, s19;
	s22 =	rddreg [dreg:$0x9]  }
0x24f: {  	[spmem:s20@s15], [sflag:s19] =	dma.strided @p2 [hbm:s22@s18], $0x1E850, s21, $0x10   }
0x250: {  	[bflag:$0x0] =	sbarrier.arrive $0xFFFF  }
0x251: {  	_ =	swait.ge [sflag:s5], $0x400  }
0x252: {  	[sflag:s5] =	ssyncset.done $0x0  }
0x253: {  	[sflag:s5] =	ssyncadd.s32 $0xFFFFFC00  }
0x254: {  	[tilespmem:s6], [sflag:$0x1] =	stream.indirect.gather [spmem:s3], $0x1, s2, s6, $0xb8;
	[tilespmem:$0x1F450] =	vst v63  }
0x255: {  	_ =	swait.ge [sflag:s10], $0x400  }
0x256: {  	[sflag:s10] =	ssyncset.done $0x0  }
0x257: {  	s24 =	rddreg [dreg:$0xa];
	[sflag:s10] =	ssyncadd.s32 $0xFFFFFC00  }
0x258: {  	[hbm4b:s24+s7] =	stream.strided.scatter [tilespmem:s6], [sflag:$0x3], $0x400, s6, s7, $0x38;
	[tilespmem:$0x1F450] =	vst v63  }
0x259: {  	[bflag:$0x0] =	sbarrier.arrive $0xFFFF  }
0x25a: {  	s22 =	rddreg [dreg:$0xb]  }
0x25b: {  	[spmem:s11@s14], [sflag:s12] =	dma.strided @!p0 [hbm:s22@s13], $0x1E850, s17, $0x10   }
0x25c: {  	_ =	swait.ge @p2 [sflag:s0], $0x1E850  }
0x25d: {  	[sflag:s0] =	ssyncset.done @p2 $0x0  }
0x25e: {  	[sflag:s0] =	ssyncadd.s32 @p2 $0xFFFE17B0  }
0x25f: {  	[bflag:$0x0] =	sbarrier.arrive $0xFFFF  }
0x260: {  	_ =	swait.ge [sflag:s4], $0x400  }
0x261: {  	[sflag:s4] =	ssyncset.done $0x0  }
0x262: {  	[sflag:s4] =	ssyncadd.s32 $0xFFFFFC00  }
0x263: {  	[tilespmem:s8], [sflag:$0x2] =	stream.indirect.gather [spmem:s1], $0x1, s2, s6, $0xb8;
	[tilespmem:$0x1F450] =	vst v63  }
0x264: {  	_ =	swait.ge [sflag:s9], $0x400  }
0x265: {  	[sflag:s9] =	ssyncset.done $0x0  }
0x266: {  	s25 =	rddreg [dreg:$0xc];
	[sflag:s9] =	ssyncadd.s32 $0xFFFFFC00  }
0x267: {  	[hbm4b:s25+s7] =	stream.strided.scatter [tilespmem:s8], [sflag:$0x4], $0x400, s6, s7, $0x38;
	[tilespmem:$0x1F450] =	vst v63  }
0x268: {  	[bflag:$0x0] =	sbarrier.arrive $0xFFFF  }
0x269: {  	_ =	swait.ge @!p1 [sflag:s16], $0x1E850  }
0x26a: {  	[sflag:s16] =	ssyncset.done @!p1 $0x0  }
0x26b: {  	s22 =	rddreg [dreg:$0xd];
	[sflag:s16] =	ssyncadd.s32 @!p1 $0xFFFE17B0  }
0x26c: {  	[spmem:s20@s15], [sflag:s19] =	dma.strided @p2 [hbm:s22@s18], $0x1E850, s21, $0x10   }
0x26d: {  	[bflag:$0x0] =	sbarrier.arrive $0xFFFF  }
0x26e: {  	_ =	swait.ge [sflag:s5], $0x400  }
0x26f: {  	[sflag:s5] =	ssyncset.done $0x0  }
0x270: {  	[sflag:s5] =	ssyncadd.s32 $0xFFFFFC00  }
0x271: {  	[tilespmem:s6], [sflag:$0x1] =	stream.indirect.gather [spmem:s3], $0x1, s2, s6, $0xb8;
	[tilespmem:$0x1F450] =	vst v63  }
0x272: {  	_ =	swait.ge [sflag:s10], $0x400  }
0x273: {  	[sflag:s10] =	ssyncset.done $0x0  }
0x274: {  	s26 =	rddreg [dreg:$0xe];
	[sflag:s10] =	ssyncadd.s32 $0xFFFFFC00  }
0x275: {  	[hbm4b:s26+s7] =	stream.strided.scatter [tilespmem:s6], [sflag:$0x3], $0x400, s6, s7, $0x38;
	[tilespmem:$0x1F450] =	vst v63  }
0x276: {  	[bflag:$0x0] =	sbarrier.arrive $0xFFFF  }
0x277: {  	s22 =	rddreg [dreg:$0xf]  }
0x278: {  	[spmem:s11@s14], [sflag:s12] =	dma.strided @!p0 [hbm:s22@s13], $0x1E850, s17, $0x10   }
0x279: {  	_ =	swait.ge @p2 [sflag:s0], $0x1E850  }
0x27a: {  	[sflag:s0] =	ssyncset.done @p2 $0x0  }
0x27b: {  	[sflag:s0] =	ssyncadd.s32 @p2 $0xFFFE17B0  }
0x27c: {  	[bflag:$0x0] =	sbarrier.arrive $0xFFFF  }
0x27d: {  	_ =	swait.ge [sflag:s4], $0x400  }
0x27e: {  	[sflag:s4] =	ssyncset.done $0x0  }
0x27f: {  	[sflag:s4] =	ssyncadd.s32 $0xFFFFFC00  }
0x280: {  	[tilespmem:s8], [sflag:$0x2] =	stream.indirect.gather [spmem:s1], $0x1, s2, s6, $0xb8;
	[tilespmem:$0x1F450] =	vst v63  }
0x281: {  	_ =	swait.ge [sflag:s9], $0x400  }
0x282: {  	[sflag:s9] =	ssyncset.done $0x0  }
0x283: {  	s28 =	rddreg [dreg:$0x10];
	[sflag:s9] =	ssyncadd.s32 $0xFFFFFC00  }
0x284: {  	[hbm4b:s28+s7] =	stream.strided.scatter [tilespmem:s8], [sflag:$0x4], $0x400, s6, s7, $0x38;
	[tilespmem:$0x1F450] =	vst v63  }
0x285: {  	[bflag:$0x0] =	sbarrier.arrive $0xFFFF  }
0x286: {  	_ =	swait.ge @!p1 [sflag:s16], $0x1E850  }
0x287: {  	[sflag:s16] =	ssyncset.done @!p1 $0x0  }
0x288: {  	s22 =	rddreg [dreg:$0x11];
	[sflag:s16] =	ssyncadd.s32 @!p1 $0xFFFE17B0  }
0x289: {  	[spmem:s20@s15], [sflag:s19] =	dma.strided @p2 [hbm:s22@s18], $0x1E850, s21, $0x10   }
0x28a: {  	[bflag:$0x0] =	sbarrier.arrive $0xFFFF  }
0x28b: {  	_ =	swait.ge [sflag:s5], $0x400  }
0x28c: {  	[sflag:s5] =	ssyncset.done $0x0  }
0x28d: {  	[sflag:s5] =	ssyncadd.s32 $0xFFFFFC00  }
0x28e: {  	[tilespmem:s6], [sflag:$0x1] =	stream.indirect.gather [spmem:s3], $0x1, s2, s6, $0xb8;
	[tilespmem:$0x1F450] =	vst v63  }
0x28f: {  	_ =	swait.ge [sflag:s10], $0x400  }
0x290: {  	[sflag:s10] =	ssyncset.done $0x0  }
0x291: {  	s29 =	rddreg [dreg:$0x12];
	[sflag:s10] =	ssyncadd.s32 $0xFFFFFC00  }
0x292: {  	[hbm4b:s29+s7] =	stream.strided.scatter [tilespmem:s6], [sflag:$0x3], $0x400, s6, s7, $0x38;
	[tilespmem:$0x1F450] =	vst v63  }
0x293: {  	[bflag:$0x0] =	sbarrier.arrive $0xFFFF  }
0x294: {  	s22 =	rddreg [dreg:$0x13]  }
0x295: {  	[spmem:s11@s14], [sflag:s12] =	dma.strided @!p0 [hbm:s22@s13], $0x1E850, s17, $0x10   }
0x296: {  	_ =	swait.ge @p2 [sflag:s0], $0x1E850  }
0x297: {  	[sflag:s0] =	ssyncset.done @p2 $0x0  }
0x298: {  	[sflag:s0] =	ssyncadd.s32 @p2 $0xFFFE17B0  }
0x299: {  	[bflag:$0x0] =	sbarrier.arrive $0xFFFF  }
0x29a: {  	_ =	swait.ge [sflag:s4], $0x400  }
0x29b: {  	[sflag:s4] =	ssyncset.done $0x0  }
0x29c: {  	[sflag:s4] =	ssyncadd.s32 $0xFFFFFC00  }
0x29d: {  	[tilespmem:s8], [sflag:$0x2] =	stream.indirect.gather [spmem:s1], $0x1, s2, s6, $0xb8;
	[tilespmem:$0x1F450] =	vst v63  }
0x29e: {  	_ =	swait.ge [sflag:s9], $0x400  }
0x29f: {  	[sflag:s9] =	ssyncset.done $0x0  }
0x2a0: {  	s30 =	rddreg [dreg:$0x14];
	[sflag:s9] =	ssyncadd.s32 $0xFFFFFC00  }
0x2a1: {  	[hbm4b:s30+s7] =	stream.strided.scatter [tilespmem:s8], [sflag:$0x4], $0x400, s6, s7, $0x38;
	[tilespmem:$0x1F450] =	vst v63  }
0x2a2: {  	[bflag:$0x0] =	sbarrier.arrive $0xFFFF  }
0x2a3: {  	_ =	swait.ge @!p1 [sflag:s16], $0x1E850  }
0x2a4: {  	[sflag:s16] =	ssyncset.done @!p1 $0x0  }
0x2a5: {  	s22 =	rddreg [dreg:$0x15];
	[sflag:s16] =	ssyncadd.s32 @!p1 $0xFFFE17B0  }
0x2a6: {  	[spmem:s20@s15], [sflag:s19] =	dma.strided @p2 [hbm:s22@s18], $0x1E850, s21, $0x10   }
0x2a7: {  	[bflag:$0x0] =	sbarrier.arrive $0xFFFF  }
0x2a8: {  	_ =	swait.ge [sflag:s5], $0x400  }
0x2a9: {  	[sflag:s5] =	ssyncset.done $0x0  }
0x2aa: {  	[sflag:s5] =	ssyncadd.s32 $0xFFFFFC00  }
0x2ab: {  	[tilespmem:s6], [sflag:$0x1] =	stream.indirect.gather [spmem:s3], $0x1, s2, s6, $0xb8;
	[tilespmem:$0x1F450] =	vst v63  }
0x2ac: {  	_ =	swait.ge [sflag:s10], $0x400  }
0x2ad: {  	[sflag:s10] =	ssyncset.done $0x0  }
0x2ae: {  	s31 =	rddreg [dreg:$0x16];
	[sflag:s10] =	ssyncadd.s32 $0xFFFFFC00  }
0x2af: {  	[hbm4b:s31+s7] =	stream.strided.scatter [tilespmem:s6], [sflag:$0x3], $0x400, s6, s7, $0x38;
	[tilespmem:$0x1F450] =	vst v63  }
0x2b0: {  	[bflag:$0x0] =	sbarrier.arrive $0xFFFF  }
0x2b1: {  	s22 =	rddreg [dreg:$0x17]  }
0x2b2: {  	[spmem:s11@s14], [sflag:s12] =	dma.strided @!p0 [hbm:s22@s13], $0x1E850, s17, $0x10   }
0x2b3: {  	_ =	swait.ge @p2 [sflag:s0], $0x1E850  }
0x2b4: {  	[sflag:s0] =	ssyncset.done @p2 $0x0  }
0x2b5: {  	[sflag:s0] =	ssyncadd.s32 @p2 $0xFFFE17B0  }
0x2b6: {  	[bflag:$0x0] =	sbarrier.arrive $0xFFFF  }
0x2b7: {  	_ =	swait.ge [sflag:s4], $0x400  }
0x2b8: {  	[sflag:s4] =	ssyncset.done $0x0  }
0x2b9: {  	[sflag:s4] =	ssyncadd.s32 $0xFFFFFC00  }
0x2ba: {  	[tilespmem:s8], [sflag:$0x2] =	stream.indirect.gather [spmem:s1], $0x1, s2, s6, $0xb8;
	[tilespmem:$0x1F450] =	vst v63  }
0x2bb: {  	_ =	swait.ge [sflag:s9], $0x400  }
0x2bc: {  	[sflag:s9] =	ssyncset.done $0x0  }
0x2bd: {  	s24 =	rddreg [dreg:$0x18];
	[sflag:s9] =	ssyncadd.s32 $0xFFFFFC00  }
0x2be: {  	[hbm4b:s24+s7] =	stream.strided.scatter [tilespmem:s8], [sflag:$0x4], $0x400, s6, s7, $0x38;
	[tilespmem:$0x1F450] =	vst v63  }
0x2bf: {  	[bflag:$0x0] =	sbarrier.arrive $0xFFFF  }
0x2c0: {  	_ =	swait.ge @!p1 [sflag:s16], $0x1E850  }
0x2c1: {  	[sflag:s16] =	ssyncset.done @!p1 $0x0  }
0x2c2: {  	s22 =	rddreg [dreg:$0x19];
	[sflag:s16] =	ssyncadd.s32 @!p1 $0xFFFE17B0  }
0x2c3: {  	[spmem:s20@s15], [sflag:s19] =	dma.strided @p2 [hbm:s22@s18], $0x1E850, s21, $0x10   }
0x2c4: {  	[bflag:$0x0] =	sbarrier.arrive $0xFFFF  }
0x2c5: {  	_ =	swait.ge [sflag:s5], $0x400  }
0x2c6: {  	[sflag:s5] =	ssyncset.done $0x0  }
0x2c7: {  	[sflag:s5] =	ssyncadd.s32 $0xFFFFFC00  }
0x2c8: {  	[tilespmem:s6], [sflag:$0x1] =	stream.indirect.gather [spmem:s3], $0x1, s2, s6, $0xb8;
	[tilespmem:$0x1F450] =	vst v63  }
0x2c9: {  	_ =	swait.ge [sflag:s10], $0x400  }
0x2ca: {  	[sflag:s10] =	ssyncset.done $0x0  }
0x2cb: {  	s25 =	rddreg [dreg:$0x1a];
	[sflag:s10] =	ssyncadd.s32 $0xFFFFFC00  }
0x2cc: {  	[hbm4b:s25+s7] =	stream.strided.scatter [tilespmem:s6], [sflag:$0x3], $0x400, s6, s7, $0x38;
	[tilespmem:$0x1F450] =	vst v63  }
0x2cd: {  	[bflag:$0x0] =	sbarrier.arrive $0xFFFF  }
0x2ce: {  	s22 =	rddreg [dreg:$0x1b]  }
0x2cf: {  	[spmem:s11@s14], [sflag:s12] =	dma.strided @!p0 [hbm:s22@s13], $0x1E850, s17, $0x10   }
0x2d0: {  	_ =	swait.ge @p2 [sflag:s0], $0x1E850  }
0x2d1: {  	[sflag:s0] =	ssyncset.done @p2 $0x0  }
0x2d2: {  	[sflag:s0] =	ssyncadd.s32 @p2 $0xFFFE17B0  }
0x2d3: {  	[bflag:$0x0] =	sbarrier.arrive $0xFFFF  }
0x2d4: {  	_ =	swait.ge [sflag:s4], $0x400  }
0x2d5: {  	[sflag:s4] =	ssyncset.done $0x0  }
0x2d6: {  	[sflag:s4] =	ssyncadd.s32 $0xFFFFFC00  }
0x2d7: {  	[tilespmem:s8], [sflag:$0x2] =	stream.indirect.gather [spmem:s1], $0x1, s2, s6, $0xb8;
	[tilespmem:$0x1F450] =	vst v63  }
0x2d8: {  	_ =	swait.ge [sflag:s9], $0x400  }
0x2d9: {  	[sflag:s9] =	ssyncset.done $0x0  }
0x2da: {  	s26 =	rddreg [dreg:$0x1c];
	[sflag:s9] =	ssyncadd.s32 $0xFFFFFC00  }
0x2db: {  	[hbm4b:s26+s7] =	stream.strided.scatter [tilespmem:s8], [sflag:$0x4], $0x400, s6, s7, $0x38;
	[tilespmem:$0x1F450] =	vst v63  }
0x2dc: {  	[bflag:$0x0] =	sbarrier.arrive $0xFFFF  }
0x2dd: {  	_ =	swait.ge @!p1 [sflag:s16], $0x1E850  }
0x2de: {  	[sflag:s16] =	ssyncset.done @!p1 $0x0  }
0x2df: {  	s22 =	rddreg [dreg:$0x1d];
	[sflag:s16] =	ssyncadd.s32 @!p1 $0xFFFE17B0  }
0x2e0: {  	[spmem:s20@s15], [sflag:s19] =	dma.strided @p2 [hbm:s22@s18], $0x1E850, s21, $0x10   }
0x2e1: {  	[bflag:$0x0] =	sbarrier.arrive $0xFFFF  }
0x2e2: {  	_ =	swait.ge [sflag:s5], $0x400  }
0x2e3: {  	[sflag:s5] =	ssyncset.done $0x0  }
0x2e4: {  	[sflag:s5] =	ssyncadd.s32 $0xFFFFFC00  }
0x2e5: {  	[tilespmem:s6], [sflag:$0x1] =	stream.indirect.gather [spmem:s3], $0x1, s2, s6, $0xb8;
	[tilespmem:$0x1F450] =	vst v63  }
0x2e6: {  	_ =	swait.ge [sflag:s10], $0x400  }
0x2e7: {  	[sflag:s10] =	ssyncset.done $0x0  }
0x2e8: {  	s28 =	rddreg [dreg:$0x1e];
	[sflag:s10] =	ssyncadd.s32 $0xFFFFFC00  }
0x2e9: {  	[hbm4b:s28+s7] =	stream.strided.scatter [tilespmem:s6], [sflag:$0x3], $0x400, s6, s7, $0x38;
	[tilespmem:$0x1F450] =	vst v63  }
0x2ea: {  	[bflag:$0x0] =	sbarrier.arrive $0xFFFF  }
0x2eb: {  	s22 =	rddreg [dreg:$0x1f]  }
0x2ec: {  	[spmem:s11@s14], [sflag:s12] =	dma.strided @!p0 [hbm:s22@s13], $0x1E850, s17, $0x10   }
0x2ed: {  	_ =	swait.ge @p2 [sflag:s0], $0x1E850  }
0x2ee: {  	[sflag:s0] =	ssyncset.done @p2 $0x0  }
0x2ef: {  	[sflag:s0] =	ssyncadd.s32 @p2 $0xFFFE17B0  }
0x2f0: {  	[bflag:$0x0] =	sbarrier.arrive $0xFFFF  }
0x2f1: {  	_ =	swait.ge [sflag:s4], $0x400  }
0x2f2: {  	[sflag:s4] =	ssyncset.done $0x0  }
0x2f3: {  	[sflag:s4] =	ssyncadd.s32 $0xFFFFFC00  }
0x2f4: {  	[tilespmem:s8], [sflag:$0x2] =	stream.indirect.gather [spmem:s1], $0x1, s2, s6, $0xb8;
	[tilespmem:$0x1F450] =	vst v63  }
0x2f5: {  	_ =	swait.ge [sflag:s9], $0x400  }
0x2f6: {  	s29 =	sld [smem:$0x7FA]  }
0x2f7: {  	[sflag:s9] =	ssyncset.done $0x0  }
0x2f8: {  	[sflag:s9] =	ssyncadd.s32 $0xFFFFFC00  }
0x2f9: {  	[hbm4b:s29+s7] =	stream.strided.scatter [tilespmem:s8], [sflag:$0x4], $0x400, s6, s7, $0x38;
	[tilespmem:$0x1F450] =	vst v63  }
0x2fa: {  	[bflag:$0x0] =	sbarrier.arrive $0xFFFF  }
0x2fb: {  	_ =	swait.ge @!p1 [sflag:s16], $0x1E850  }
0x2fc: {  	s11 =	sld [smem:$0x7FB]  }
0x2fd: {  	[sflag:s16] =	ssyncset.done @!p1 $0x0  }
0x2fe: {  	[sflag:s16] =	ssyncadd.s32 @!p1 $0xFFFE17B0  }
0x2ff: {  	[spmem:s20@s15], [sflag:s19] =	dma.strided @p2 [hbm:s11@s18], $0x1E850, s21, $0x10   }
0x300: {  	[bflag:$0x0] =	sbarrier.arrive $0xFFFF  }
0x301: {  	_ =	swait.ge [sflag:s5], $0x400  }
0x302: {  	[sflag:s5] =	ssyncset.done $0x0  }
0x303: {  	[sflag:s5] =	ssyncadd.s32 $0xFFFFFC00  }
0x304: {  	[tilespmem:s6], [sflag:$0x1] =	stream.indirect.gather [spmem:s3], $0x1, s2, s6, $0xb8;
	[tilespmem:$0x1F450] =	vst v63  }
0x305: {  	_ =	swait.ge [sflag:s10], $0x400  }
0x306: {  	s30 =	sld [smem:$0x7FC]  }
0x307: {  	[sflag:s10] =	ssyncset.done $0x0  }
0x308: {  	[sflag:s10] =	ssyncadd.s32 $0xFFFFFC00  }
0x309: {  	[hbm4b:s30+s7] =	stream.strided.scatter [tilespmem:s6], [sflag:$0x3], $0x400, s6, s7, $0x38;
	[tilespmem:$0x1F450] =	vst v63  }
0x30a: {  	[bflag:$0x0] =	sbarrier.arrive $0xFFFF  }
0x30b: {  	_ =	swait.ge @p2 [sflag:s0], $0x1E850  }
0x30c: {  	[sflag:s0] =	ssyncset.done @p2 $0x0  }
0x30d: {  	[sflag:s0] =	ssyncadd.s32 @p2 $0xFFFE17B0  }
0x30e: {  	[bflag:$0x0] =	sbarrier.arrive $0xFFFF  }
0x30f: {  	_ =	swait.ge [sflag:s4], $0x400  }
0x310: {  	[sflag:s4] =	ssyncset.done $0x0  }
0x311: {  	[sflag:s4] =	ssyncadd.s32 $0xFFFFFC00  }
0x312: {  	[tilespmem:s8], [sflag:$0x2] =	stream.indirect.gather [spmem:s1], $0x1, s2, s6, $0xb8;
	[tilespmem:$0x1F450] =	vst v63  }
0x313: {  	_ =	swait.ge [sflag:s9], $0x400  }
0x314: {  	s31 =	sld [smem:$0x7FD]  }
0x315: {  	[sflag:s9] =	ssyncset.done $0x0  }
0x316: {  	[sflag:s9] =	ssyncadd.s32 $0xFFFFFC00  }
0x317: {  	[hbm4b:s31+s7] =	stream.strided.scatter [tilespmem:s8], [sflag:$0x4], $0x400, s6, s7, $0x38;
	[tilespmem:$0x1F450] =	vst v63  }
0x318: {  	[bflag:$0x0] =	sbarrier.arrive $0xFFFF  }
0x319: {  	_ =	swait.ge [sflag:s5], $0x400  }
0x31a: {  	[sflag:s5] =	ssyncset.done $0x0  }
0x31b: {  	[sflag:s5] =	ssyncadd.s32 $0xFFFFFC00  }
0x31c: {  	_ =	swait.ge [sflag:s4], $0x400  }
0x31d: {  	[sflag:s4] =	ssyncset.done $0x0  }
0x31e: {  	[sflag:s4] =	ssyncadd.s32 $0xFFFFFC00  }
0x31f: {  	_ =	sfence.sel $0x180000  }
0x320: {  	[bflag:$0x0] =	sbarrier.arrive $0xFFFF  }
0x321: {  	_ =	strace $0x90000047  }
0x322: {  	s0 =	sadd.s32 @!p0 $0x100000, s23;
	[bflag:$0x2] =	sbarrier.arrive $0xFFFF  }
0x323: {  	[sflag:s0] =	ssyncadd.tile.s32 @!p0 $0x1;
	_ =	shalt  }
.LBB2_2:
0x324: {  	s23 =	rddreg [dreg:$0x5]  }
.Ltmp3:
0x325: {  	s25 =	sld [smem:$0x7F6];
	(pc) =	sbr.rel .LBB2_5-.Ltmp3, $4  }
0x326: {  	s0 =	sld [smem:$0x7F5]  }
0x327: {  	s16 =	sld [smem:$0x7F7]  }
0x328: {  	s24 =	stileid.u32;
	s19 =	sld [smem:$0x7F8]  }
0x329: {  	p6 =	por $0x0, $0x0;
	s17 =	sld [smem:$0x7F9];
	p5 =	seq.s32 s0, $0x1  }
.Lfunc_end2:
_tile_overlayer_lowered:
.L_overlay_start_2:
0x32a: {  	(tag) =	ssettag $0x2  }
0x32b: {  	s0 =	rddreg [dreg:$0x0];
	s2 =	stileid.u32  }
0x32c: {  	s1 =	rddreg [dreg:$0x1];
	p0 =	sne.s32 s2, $0x0  }
0x32d: {  	s3 =	rddreg [dreg:$0x2];
	[bflag:$0x3] =	sbarrier.arrive $0xFFFF;
	s2 =	simm.s32 @!p0 $0x1C05  }
0x32e: {  	[timem:s3], [sflag:s2] =	dma.local @!p0 [hbm:s0], s1  }
0x32f: {  	s0 =	simm.s32 @!p0 $0x5  }
0x330: {  	_ =	swait.ge @!p0 [sflag:s0], s1  }
0x331: {  	s1 =	ssub.s32 @!p0 $0x0, s1;
	[sflag:s0] =	ssyncset.done @!p0 $0x0  }
0x332: {  	[sflag:s0] =	ssyncadd.s32 @!p0 s1  }
0x333: {  	[bflag:$0x3] =	sbarrier.arrive $0xFFFF  }
0x334: {  	_ =	shalt  }

</sc_bundles>
